<compile_context>
chip_gen: v7x
topology: tpu7x:2x2x1
jax: 0.10.2.dev20260603
libtpu: 0.0.44.dev20260713+nightly
codegen_flags: <defaults>
</compile_context>

<pallas_src>
import functools

import jax
import jax.numpy as jnp
from jax import lax
from jax.experimental import pallas as pl
from jax.experimental.pallas import tpu as pltpu
from jax.experimental.pallas import tpu_sc as plsc

COUNT = 8
L1 = 1024
L2 = 15
L3 = 32
G = L2 + 1
SQR_C = 0.9921875

TB = 2048

def _tc_body(x_ref, x2_ref, w1_ref, w1f_ref, b1_ref, b1f_ref,
             w2big_ref, b2_ref, w3big_ref, b3_ref,
             out_ref, weff_ref, beff_ref, w2b_ref, w3b_ref):
    @pl.when(pl.program_id(0) == 0)
    def _():
        w1f_big = jnp.concatenate([w1f_ref[...]] * COUNT, axis=0)
        weff = w1_ref[...] + w1f_big
        weff_ref[...] = weff.astype(jnp.bfloat16)
        b1f_big = jnp.concatenate([b1f_ref[...]] * COUNT, axis=1)
        ones = jnp.ones((8, L1), jnp.float32)
        corr = jax.lax.dot_general(ones, weff, (((1,), (1,)), ((), ())),
                                   preferred_element_type=jnp.float32)
        beff_ref[...] = (b1_ref[...] + b1f_big + 0.5 * corr[:1, :])
        w2t = w2big_ref[...].T
        zrow = jnp.zeros((1, COUNT * L3), jnp.float32)
        blk_sqr = jnp.concatenate([w2t[:L2], zrow], axis=0)
        blk_raw = jnp.concatenate([w2t[L2:], zrow], axis=0)
        rid = jax.lax.broadcasted_iota(jnp.int32, (COUNT * G, COUNT * L3), 0)
        cid = jax.lax.broadcasted_iota(jnp.int32, (COUNT * G, COUNT * L3), 1)
        mask = (rid // G) == (cid // L3)
        tiled_sqr = jnp.concatenate([blk_sqr] * COUNT, axis=0)
        tiled_raw = jnp.concatenate([blk_raw] * COUNT, axis=0)
        w2b_ref[...] = jnp.concatenate(
            [jnp.where(mask, tiled_sqr, 0.0),
             jnp.where(mask, tiled_raw, 0.0)], axis=0).astype(jnp.bfloat16)
        w3t = w3big_ref[...].T
        rid3 = jax.lax.broadcasted_iota(jnp.int32, (COUNT * L3, COUNT), 0)
        cid3 = jax.lax.broadcasted_iota(jnp.int32, (COUNT * L3, COUNT), 1)
        w3b_ref[...] = jnp.where(
            rid3 // L3 == cid3,
            jnp.concatenate([w3t] * COUNT, axis=0), 0.0).astype(jnp.bfloat16)

    H = L1 // 2
    xcl = (x_ref[...] - 0.5).astype(jnp.bfloat16)
    xcr = (x2_ref[...] - 0.5).astype(jnp.bfloat16)
    yl = jax.lax.dot_general(xcl, weff_ref[:, :H], (((1,), (1,)), ((), ())),
                             preferred_element_type=jnp.float32)
    yr = jax.lax.dot_general(xcr, weff_ref[:, H:], (((1,), (1,)), ((), ())),
                             preferred_element_type=jnp.float32)
    y = yl + yr + beff_ref[...]
    act = jnp.concatenate(
        [jnp.clip(y * y * SQR_C, 0.0, 1.0), jnp.clip(y, 0.0, 1.0)],
        axis=1).astype(jnp.bfloat16)
    l2 = jax.lax.dot_general(act, w2b_ref[...], (((1,), (0,)), ((), ())),
                             preferred_element_type=jnp.float32) + b2_ref[...]
    l2x = jnp.clip(l2, 0.0, 1.0).astype(jnp.bfloat16)
    l3 = jax.lax.dot_general(l2x, w3b_ref[...], (((1,), (0,)), ((), ())),
                             preferred_element_type=jnp.float32)
    skip = jnp.concatenate(
        [y[:, G * k + L2:G * k + G] for k in range(COUNT)], axis=1)
    out_ref[...] = (l3 + skip + b3_ref[...]).T


def _tc_scores(x, W1r, W1f, b1r, b1fr, W2big, b2r, W3big, b3r):
    B = x.shape[0]
    full = lambda i: (0, 0)
    return pl.pallas_call(
        _tc_body,
        grid=(B // TB,),
        in_specs=[
            pl.BlockSpec((TB, L1 // 2), lambda i: (i, 0)),
            pl.BlockSpec((TB, L1 // 2), lambda i: (i, 1)),
            pl.BlockSpec((COUNT * G, L1), full),
            pl.BlockSpec((G, L1), full),
            pl.BlockSpec((1, COUNT * G), full),
            pl.BlockSpec((1, G), full),
            pl.BlockSpec((COUNT * L3, 2 * L2), full),
            pl.BlockSpec((1, COUNT * L3), full),
            pl.BlockSpec((COUNT, L3), full),
            pl.BlockSpec((1, COUNT), full),
        ],
        out_specs=pl.BlockSpec((COUNT, TB), lambda i: (0, i)),
        out_shape=jax.ShapeDtypeStruct((COUNT, B), jnp.float32),
        scratch_shapes=[
            pltpu.VMEM((COUNT * G, L1), jnp.bfloat16),
            pltpu.VMEM((1, COUNT * G), jnp.float32),
            pltpu.VMEM((2 * COUNT * G, COUNT * L3), jnp.bfloat16),
            pltpu.VMEM((COUNT * L3, COUNT), jnp.bfloat16),
        ],
        compiler_params=pltpu.CompilerParams(
            dimension_semantics=("arbitrary",),
        ),
    )(x, x, W1r, W1f, b1r, b1fr, W2big, b2r, W3big, b3r)


def _make_sc_gather(B):
    NC, NS, L = 2, 16, 16
    NW = NC * NS
    bpw = B // NW
    mesh = plsc.VectorSubcoreMesh(core_axis_name="c", subcore_axis_name="s")

    CH = 128
    NCH = bpw // CH

    @functools.partial(
        pl.kernel, mesh=mesh,
        out_type=jax.ShapeDtypeStruct((B,), jnp.float32),
        scratch_types=[
            pltpu.VMEM((bpw,), jnp.int32),
            pltpu.VMEM((NCH, CH), jnp.int32),
            pltpu.VMEM((bpw,), jnp.float32),
            pltpu.SemaphoreType.DMA,
        ],
    )
    def sc_gather(scores_hbm, idx_hbm, out_hbm, idx_v, fidx_v, out_v, sem):
        wid = lax.axis_index("s") * NC + lax.axis_index("c")
        base = wid * bpw
        pltpu.sync_copy(idx_hbm.at[pl.ds(base, bpw)], idx_v)
        per_row = CH // L
        for i in range(bpw // L):
            lane = lax.iota(jnp.int32, L)
            flat = idx_v[pl.ds(i * L, L)] * B + (lane + (base + i * L))
            fidx_v[i // per_row, pl.ds((i % per_row) * L, L)] = flat
        for j in range(NCH):
            pltpu.async_copy(scores_hbm.at[fidx_v.at[j]],
                             out_v.at[pl.ds(j * CH, CH)], sem).wait()
        pltpu.sync_copy(out_v, out_hbm.at[pl.ds(base, bpw)])

    return sc_gather


def kernel(x, ls_indices, W1, b1, W1f, b1f, W2, b2, W3, b3):
    B = x.shape[0]
    idx = ls_indices.astype(jnp.int32)
    W1r = W1.reshape(COUNT * G, L1)
    b1r = b1.reshape(1, COUNT * G)
    b1fr = b1f.reshape(1, G)
    W2r = W2.reshape(COUNT * L3, 2 * L2)
    b2r = b2.reshape(1, COUNT * L3)
    W3r = W3.reshape(COUNT, L3)
    b3r = b3.reshape(1, COUNT)

    scores = _tc_scores(x, W1r, W1f, b1r, b1fr, W2r, b2r, W3r, b3r)
    out = _make_sc_gather(B)(scores.reshape(COUNT * B), idx)
    return out.reshape(B, 1)

# --- scband reference (transcript-rebuilt; emitter-appended) ---
"""Pipeline reference for scband-layer-stacks-83485574299885 (READ-ONLY COPY).

The authoritative reference and input builder live on the scoring server;
editing this copy changes nothing except your own understanding.
"""

import jax, jax.numpy as jnp
import numpy as np

COUNT = 8
L1 = 1024
L2 = 15
L3 = 32
B = 16384
SQR_CRELU_CORRECTION = 0.9921875  # quantization.sqr_crelu_correction_factor
CLIP_MIN, CLIP_MAX = 0.0, 1.0     # quantization.clip_ls_act -> clipped ReLU


def setup_inputs(seed: int = 0) -> dict:
    key = jax.random.key(seed)
    ks = jax.random.split(key, 10)
    scale = 0.05
    # forward args
    x = jax.random.uniform(ks[0], (B, L1), dtype=jnp.float32)
    ls_indices = jax.random.randint(ks[1], (B,), 0, COUNT, dtype=jnp.int64)
    # FactorizedStackedLinear l1: per-bucket weights + shared factor weight
    W1 = jax.random.normal(ks[2], (COUNT, L2 + 1, L1), dtype=jnp.float32) * scale
    b1 = jax.random.normal(ks[3], (COUNT, L2 + 1), dtype=jnp.float32) * scale
    W1f = jax.random.normal(ks[4], (L2 + 1, L1), dtype=jnp.float32) * scale
    b1f = jax.random.normal(ks[5], (L2 + 1,), dtype=jnp.float32) * scale
    # StackedLinear l2: (2*L2 -> L3)
    W2 = jax.random.normal(ks[6], (COUNT, L3, 2 * L2), dtype=jnp.float32) * scale
    b2 = jax.random.normal(ks[7], (COUNT, L3), dtype=jnp.float32) * scale
    # StackedLinear output: (L3 -> 1), bias zeroed in __init__
    W3 = jax.random.normal(ks[8], (COUNT, 1, L3), dtype=jnp.float32) * scale
    b3 = jnp.zeros((COUNT, 1), dtype=jnp.float32)
    return {"x": x, "ls_indices": ls_indices, "W1": W1, "b1": b1, "W1f": W1f,
            "b1f": b1f, "W2": W2, "b2": b2, "W3": W3, "b3": b3}


def reference(x, ls_indices, W1, b1, W1f, b1f, W2, b2, W3, b3):
    # --- l1: FactorizedStackedLinear (effective weight = stacked + shared factor) ---
    Weff = W1 + W1f[None, :, :]          # [K, L2+1, L1]
    beff = b1 + b1f[None, :]             # [K, L2+1]
    # compute all buckets, then select per-sample bucket (avoids huge gathered weight tensor)
    y_all = jnp.einsum('bi,koi->bko', x, Weff) + beff[None, :, :]  # [B, K, L2+1]
    l1c = jnp.take_along_axis(y_all, ls_indices[:, None, None], axis=1)[:, 0, :]  # [B, L2+1]
    # fake_quantize_acts=False path
    l1x_, l1x_out = l1c[:, :L2], l1c[:, L2:]           # split(L2, dim=1)
    l1_sqr = jnp.power(l1x_, 2.0) * SQR_CRELU_CORRECTION
    l1x = jnp.clip(jnp.concatenate([l1_sqr, l1x_], axis=1), CLIP_MIN, CLIP_MAX)  # [B, 2*L2]
    # --- l2: StackedLinear, per-sample bucket weights (small dims -> direct gather) ---
    l2c = jnp.einsum('bi,boi->bo', l1x, W2[ls_indices]) + b2[ls_indices]  # [B, L3]
    l2x = jnp.clip(l2c, CLIP_MIN, CLIP_MAX)
    # --- output: StackedLinear ---
    l3c = jnp.einsum('bi,boi->bo', l2x, W3[ls_indices]) + b3[ls_indices]  # [B, 1]
    l3x = l3c + l1x_out  # skip connection from l1 extra output
    return l3x

if __name__ == "__main__":
    import jax
    _d = setup_inputs()
    print(jax.jit(kernel)(*tuple(_d.values())))

</pallas_src>

<mosaic_0001>
#map = affine_map<(d0, d1) -> (0)>
module attributes {stable_mosaic.version = 14 : i64} {
  func.func @sc_gather(%arg0: i32, %arg1: i32, %arg2: memref<131072xf32, #tpu.memory_space<hbm>>, %arg3: memref<16384xi32, #tpu.memory_space<hbm>>, %arg4: memref<16384xf32, #tpu.memory_space<hbm>>, %arg5: memref<512xi32, #tpu.memory_space<vmem>>, %arg6: memref<4x128xi32, #tpu.memory_space<vmem>>, %arg7: memref<512xf32, #tpu.memory_space<vmem>>, %arg8: memref<!tpu.dma_semaphore, #tpu.memory_space<semaphore_mem>>) attributes {dimension_semantics = [#tpu.dimension_semantics<core_parallel>, #tpu.dimension_semantics<subcore_parallel>], iteration_bounds = array<i64: 2, 16>, scalar_prefetch = 0 : i64, scratch_operands = 4 : i64, tpu.core_type = #tpu.core_type<sc_vector_subcore>, window_params = [{transform_indices = #map}, {transform_indices = #map}, {transform_indices = #map}]} {
    %mul3A = arith.constant 2 : i32
    %mul3A_0 = arith.muli %arg1, %mul3A : i32
    %add3A = arith.addi %mul3A_0, %arg0 : i32
    %mul3A_1 = arith.constant 512 : i32
    %mul3A_2 = arith.muli %add3A, %mul3A_1 : i32
    "tpu.region"() ({
      %run_scoped3A = tpu.sem_alloc : memref<!tpu.dma_semaphore, #tpu.memory_space<semaphore_mem>>
      %dma_start3A_638 = tpu.memref_slice %arg3[%mul3A_2] : memref<16384xi32, #tpu.memory_space<hbm>> -> memref<512xi32, #tpu.memory_space<hbm>>
      %dma_start3A_639 = tpu.memref_slice %arg3[%mul3A_2] : memref<16384xi32, #tpu.memory_space<hbm>> -> memref<512xi32, #tpu.memory_space<hbm>>
      tpu.enqueue_dma source(%dma_start3A_639 : memref<512xi32, #tpu.memory_space<hbm>>) target(%arg5 : memref<512xi32, #tpu.memory_space<vmem>>) target_semaphore(%run_scoped3A : memref<!tpu.dma_semaphore, #tpu.memory_space<semaphore_mem>>)
      %dma_wait3A_640 = tpu.memref_slice %arg3[%mul3A_2] : memref<16384xi32, #tpu.memory_space<hbm>> -> memref<512xi32, #tpu.memory_space<hbm>>
      %dma_wait3A_641 = tpu.memref_slice %arg3[%mul3A_2] : memref<16384xi32, #tpu.memory_space<hbm>> -> memref<512xi32, #tpu.memory_space<hbm>>
      tpu.wait_dma2 semaphore(%run_scoped3A : memref<!tpu.dma_semaphore, #tpu.memory_space<semaphore_mem>>) src(%dma_wait3A_641 : memref<512xi32, #tpu.memory_space<hbm>>) dst(%arg5 : memref<512xi32, #tpu.memory_space<vmem>>)
      tpu.yield
    }) : () -> ()
    %iota3A = tpu.iota {dimensions = array<i32: 0>} : vector<16xi32>
    %get3A = arith.constant 0 : index
    %get3A_3 = tpu.vector_load %arg5[%get3A] {strides = array<i32>} : memref<512xi32, #tpu.memory_space<vmem>>, vector<16xi32>,
    %get3A_4 = vector.shape_cast %get3A_3 : vector<16xi32> to vector<16xi32>
    %mul3A_5 = arith.constant 16384 : i32
    %mul3A_6 = vector.broadcast %mul3A_5 : i32 to vector<16xi32>
    %mul3A_7 = arith.muli %get3A_4, %mul3A_6 : vector<16xi32>
    %add3A_8 = arith.constant 0 : i32
    %add3A_9 = arith.addi %mul3A_2, %add3A_8 : i32
    %add3A_10 = vector.broadcast %add3A_9 : i32 to vector<16xi32>
    %add3A_11 = arith.addi %iota3A, %add3A_10 : vector<16xi32>
    %add3A_12 = arith.addi %mul3A_7, %add3A_11 : vector<16xi32>
    %swap3A = arith.constant 0 : i32
    %swap3A_13 = arith.index_cast %swap3A : i32 to index
    %swap3A_14 = arith.constant 0 : index
    %swap3A_15 = tpu.vector_load %arg6[%swap3A_13, %swap3A_14] {strides = array<i32>} : memref<4x128xi32, #tpu.memory_space<vmem>>, vector<1x16xi32>,
    %swap3A_16 = vector.shape_cast %swap3A_15 : vector<1x16xi32> to vector<16xi32>
    %swap3A_17 = vector.shape_cast %add3A_12 : vector<16xi32> to vector<1x16xi32>
    tpu.vector_store %arg6[%swap3A_13, %swap3A_14], %swap3A_17 {strides = array<i32>} : memref<4x128xi32, #tpu.memory_space<vmem>>, vector<1x16xi32>,
    %iota3A_18 = tpu.iota {dimensions = array<i32: 0>} : vector<16xi32>
    %get3A_19 = arith.constant 16 : index
    %get3A_20 = tpu.vector_load %arg5[%get3A_19] {strides = array<i32>} : memref<512xi32, #tpu.memory_space<vmem>>, vector<16xi32>,
    %get3A_21 = vector.shape_cast %get3A_20 : vector<16xi32> to vector<16xi32>
    %mul3A_22 = arith.constant 16384 : i32
    %mul3A_23 = vector.broadcast %mul3A_22 : i32 to vector<16xi32>
    %mul3A_24 = arith.muli %get3A_21, %mul3A_23 : vector<16xi32>
    %add3A_25 = arith.constant 16 : i32
    %add3A_26 = arith.addi %mul3A_2, %add3A_25 : i32
    %add3A_27 = vector.broadcast %add3A_26 : i32 to vector<16xi32>
    %add3A_28 = arith.addi %iota3A_18, %add3A_27 : vector<16xi32>
    %add3A_29 = arith.addi %mul3A_24, %add3A_28 : vector<16xi32>
    %swap3A_30 = arith.constant 0 : i32
    %swap3A_31 = arith.index_cast %swap3A_30 : i32 to index
    %swap3A_32 = arith.constant 16 : index
    %swap3A_33 = tpu.vector_load %arg6[%swap3A_31, %swap3A_32] {strides = array<i32>} : memref<4x128xi32, #tpu.memory_space<vmem>>, vector<1x16xi32>,
    %swap3A_34 = vector.shape_cast %swap3A_33 : vector<1x16xi32> to vector<16xi32>
    %swap3A_35 = vector.shape_cast %add3A_29 : vector<16xi32> to vector<1x16xi32>
    tpu.vector_store %arg6[%swap3A_31, %swap3A_32], %swap3A_35 {strides = array<i32>} : memref<4x128xi32, #tpu.memory_space<vmem>>, vector<1x16xi32>,
    %iota3A_36 = tpu.iota {dimensions = array<i32: 0>} : vector<16xi32>
    %get3A_37 = arith.constant 32 : index
    %get3A_38 = tpu.vector_load %arg5[%get3A_37] {strides = array<i32>} : memref<512xi32, #tpu.memory_space<vmem>>, vector<16xi32>,
    %get3A_39 = vector.shape_cast %get3A_38 : vector<16xi32> to vector<16xi32>
    %mul3A_40 = arith.constant 16384 : i32
    %mul3A_41 = vector.broadcast %mul3A_40 : i32 to vector<16xi32>
    %mul3A_42 = arith.muli %get3A_39, %mul3A_41 : vector<16xi32>
    %add3A_43 = arith.constant 32 : i32
    %add3A_44 = arith.addi %mul3A_2, %add3A_43 : i32
    %add3A_45 = vector.broadcast %add3A_44 : i32 to vector<16xi32>
    %add3A_46 = arith.addi %iota3A_36, %add3A_45 : vector<16xi32>
    %add3A_47 = arith.addi %mul3A_42, %add3A_46 : vector<16xi32>
    %swap3A_48 = arith.constant 0 : i32
    %swap3A_49 = arith.index_cast %swap3A_48 : i32 to index
    %swap3A_50 = arith.constant 32 : index
    %swap3A_51 = tpu.vector_load %arg6[%swap3A_49, %swap3A_50] {strides = array<i32>} : memref<4x128xi32, #tpu.memory_space<vmem>>, vector<1x16xi32>,
    %swap3A_52 = vector.shape_cast %swap3A_51 : vector<1x16xi32> to vector<16xi32>
    %swap3A_53 = vector.shape_cast %add3A_47 : vector<16xi32> to vector<1x16xi32>
    tpu.vector_store %arg6[%swap3A_49, %swap3A_50], %swap3A_53 {strides = array<i32>} : memref<4x128xi32, #tpu.memory_space<vmem>>, vector<1x16xi32>,
    %iota3A_54 = tpu.iota {dimensions = array<i32: 0>} : vector<16xi32>
    %get3A_55 = arith.constant 48 : index
    %get3A_56 = tpu.vector_load %arg5[%get3A_55] {strides = array<i32>} : memref<512xi32, #tpu.memory_space<vmem>>, vector<16xi32>,
    %get3A_57 = vector.shape_cast %get3A_56 : vector<16xi32> to vector<16xi32>
    %mul3A_58 = arith.constant 16384 : i32
    %mul3A_59 = vector.broadcast %mul3A_58 : i32 to vector<16xi32>
    %mul3A_60 = arith.muli %get3A_57, %mul3A_59 : vector<16xi32>
    %add3A_61 = arith.constant 48 : i32
    %add3A_62 = arith.addi %mul3A_2, %add3A_61 : i32
    %add3A_63 = vector.broadcast %add3A_62 : i32 to vector<16xi32>
    %add3A_64 = arith.addi %iota3A_54, %add3A_63 : vector<16xi32>
    %add3A_65 = arith.addi %mul3A_60, %add3A_64 : vector<16xi32>
    %swap3A_66 = arith.constant 0 : i32
    %swap3A_67 = arith.index_cast %swap3A_66 : i32 to index
    %swap3A_68 = arith.constant 48 : index
    %swap3A_69 = tpu.vector_load %arg6[%swap3A_67, %swap3A_68] {strides = array<i32>} : memref<4x128xi32, #tpu.memory_space<vmem>>, vector<1x16xi32>,
    %swap3A_70 = vector.shape_cast %swap3A_69 : vector<1x16xi32> to vector<16xi32>
    %swap3A_71 = vector.shape_cast %add3A_65 : vector<16xi32> to vector<1x16xi32>
    tpu.vector_store %arg6[%swap3A_67, %swap3A_68], %swap3A_71 {strides = array<i32>} : memref<4x128xi32, #tpu.memory_space<vmem>>, vector<1x16xi32>,
    %iota3A_72 = tpu.iota {dimensions = array<i32: 0>} : vector<16xi32>
    %get3A_73 = arith.constant 64 : index
    %get3A_74 = tpu.vector_load %arg5[%get3A_73] {strides = array<i32>} : memref<512xi32, #tpu.memory_space<vmem>>, vector<16xi32>,
    %get3A_75 = vector.shape_cast %get3A_74 : vector<16xi32> to vector<16xi32>
    %mul3A_76 = arith.constant 16384 : i32
    %mul3A_77 = vector.broadcast %mul3A_76 : i32 to vector<16xi32>
    %mul3A_78 = arith.muli %get3A_75, %mul3A_77 : vector<16xi32>
    %add3A_79 = arith.constant 64 : i32
    %add3A_80 = arith.addi %mul3A_2, %add3A_79 : i32
    %add3A_81 = vector.broadcast %add3A_80 : i32 to vector<16xi32>
    %add3A_82 = arith.addi %iota3A_72, %add3A_81 : vector<16xi32>
    %add3A_83 = arith.addi %mul3A_78, %add3A_82 : vector<16xi32>
    %swap3A_84 = arith.constant 0 : i32
    %swap3A_85 = arith.index_cast %swap3A_84 : i32 to index
    %swap3A_86 = arith.constant 64 : index
    %swap3A_87 = tpu.vector_load %arg6[%swap3A_85, %swap3A_86] {strides = array<i32>} : memref<4x128xi32, #tpu.memory_space<vmem>>, vector<1x16xi32>,
    %swap3A_88 = vector.shape_cast %swap3A_87 : vector<1x16xi32> to vector<16xi32>
    %swap3A_89 = vector.shape_cast %add3A_83 : vector<16xi32> to vector<1x16xi32>
    tpu.vector_store %arg6[%swap3A_85, %swap3A_86], %swap3A_89 {strides = array<i32>} : memref<4x128xi32, #tpu.memory_space<vmem>>, vector<1x16xi32>,
    %iota3A_90 = tpu.iota {dimensions = array<i32: 0>} : vector<16xi32>
    %get3A_91 = arith.constant 80 : index
    %get3A_92 = tpu.vector_load %arg5[%get3A_91] {strides = array<i32>} : memref<512xi32, #tpu.memory_space<vmem>>, vector<16xi32>,
    %get3A_93 = vector.shape_cast %get3A_92 : vector<16xi32> to vector<16xi32>
    %mul3A_94 = arith.constant 16384 : i32
    %mul3A_95 = vector.broadcast %mul3A_94 : i32 to vector<16xi32>
    %mul3A_96 = arith.muli %get3A_93, %mul3A_95 : vector<16xi32>
    %add3A_97 = arith.constant 80 : i32
    %add3A_98 = arith.addi %mul3A_2, %add3A_97 : i32
    %add3A_99 = vector.broadcast %add3A_98 : i32 to vector<16xi32>
    %add3A_100 = arith.addi %iota3A_90, %add3A_99 : vector<16xi32>
    %add3A_101 = arith.addi %mul3A_96, %add3A_100 : vector<16xi32>
    %swap3A_102 = arith.constant 0 : i32
    %swap3A_103 = arith.index_cast %swap3A_102 : i32 to index
    %swap3A_104 = arith.constant 80 : index
    %swap3A_105 = tpu.vector_load %arg6[%swap3A_103, %swap3A_104] {strides = array<i32>} : memref<4x128xi32, #tpu.memory_space<vmem>>, vector<1x16xi32>,
    %swap3A_106 = vector.shape_cast %swap3A_105 : vector<1x16xi32> to vector<16xi32>
    %swap3A_107 = vector.shape_cast %add3A_101 : vector<16xi32> to vector<1x16xi32>
    tpu.vector_store %arg6[%swap3A_103, %swap3A_104], %swap3A_107 {strides = array<i32>} : memref<4x128xi32, #tpu.memory_space<vmem>>, vector<1x16xi32>,
    %iota3A_108 = tpu.iota {dimensions = array<i32: 0>} : vector<16xi32>
    %get3A_109 = arith.constant 96 : index
    %get3A_110 = tpu.vector_load %arg5[%get3A_109] {strides = array<i32>} : memref<512xi32, #tpu.memory_space<vmem>>, vector<16xi32>,
    %get3A_111 = vector.shape_cast %get3A_110 : vector<16xi32> to vector<16xi32>
    %mul3A_112 = arith.constant 16384 : i32
    %mul3A_113 = vector.broadcast %mul3A_112 : i32 to vector<16xi32>
    %mul3A_114 = arith.muli %get3A_111, %mul3A_113 : vector<16xi32>
    %add3A_115 = arith.constant 96 : i32
    %add3A_116 = arith.addi %mul3A_2, %add3A_115 : i32
    %add3A_117 = vector.broadcast %add3A_116 : i32 to vector<16xi32>
    %add3A_118 = arith.addi %iota3A_108, %add3A_117 : vector<16xi32>
    %add3A_119 = arith.addi %mul3A_114, %add3A_118 : vector<16xi32>
    %swap3A_120 = arith.constant 0 : i32
    %swap3A_121 = arith.index_cast %swap3A_120 : i32 to index
    %swap3A_122 = arith.constant 96 : index
    %swap3A_123 = tpu.vector_load %arg6[%swap3A_121, %swap3A_122] {strides = array<i32>} : memref<4x128xi32, #tpu.memory_space<vmem>>, vector<1x16xi32>,
    %swap3A_124 = vector.shape_cast %swap3A_123 : vector<1x16xi32> to vector<16xi32>
    %swap3A_125 = vector.shape_cast %add3A_119 : vector<16xi32> to vector<1x16xi32>
    tpu.vector_store %arg6[%swap3A_121, %swap3A_122], %swap3A_125 {strides = array<i32>} : memref<4x128xi32, #tpu.memory_space<vmem>>, vector<1x16xi32>,
    %iota3A_126 = tpu.iota {dimensions = array<i32: 0>} : vector<16xi32>
    %get3A_127 = arith.constant 112 : index
    %get3A_128 = tpu.vector_load %arg5[%get3A_127] {strides = array<i32>} : memref<512xi32, #tpu.memory_space<vmem>>, vector<16xi32>,
    %get3A_129 = vector.shape_cast %get3A_128 : vector<16xi32> to vector<16xi32>
    %mul3A_130 = arith.constant 16384 : i32
    %mul3A_131 = vector.broadcast %mul3A_130 : i32 to vector<16xi32>
    %mul3A_132 = arith.muli %get3A_129, %mul3A_131 : vector<16xi32>
    %add3A_133 = arith.constant 112 : i32
    %add3A_134 = arith.addi %mul3A_2, %add3A_133 : i32
    %add3A_135 = vector.broadcast %add3A_134 : i32 to vector<16xi32>
    %add3A_136 = arith.addi %iota3A_126, %add3A_135 : vector<16xi32>
    %add3A_137 = arith.addi %mul3A_132, %add3A_136 : vector<16xi32>
    %swap3A_138 = arith.constant 0 : i32
    %swap3A_139 = arith.index_cast %swap3A_138 : i32 to index
    %swap3A_140 = arith.constant 112 : index
    %swap3A_141 = tpu.vector_load %arg6[%swap3A_139, %swap3A_140] {strides = array<i32>} : memref<4x128xi32, #tpu.memory_space<vmem>>, vector<1x16xi32>,
    %swap3A_142 = vector.shape_cast %swap3A_141 : vector<1x16xi32> to vector<16xi32>
    %swap3A_143 = vector.shape_cast %add3A_137 : vector<16xi32> to vector<1x16xi32>
    tpu.vector_store %arg6[%swap3A_139, %swap3A_140], %swap3A_143 {strides = array<i32>} : memref<4x128xi32, #tpu.memory_space<vmem>>, vector<1x16xi32>,
    %iota3A_144 = tpu.iota {dimensions = array<i32: 0>} : vector<16xi32>
    %get3A_145 = arith.constant 128 : index
    %get3A_146 = tpu.vector_load %arg5[%get3A_145] {strides = array<i32>} : memref<512xi32, #tpu.memory_space<vmem>>, vector<16xi32>,
    %get3A_147 = vector.shape_cast %get3A_146 : vector<16xi32> to vector<16xi32>
    %mul3A_148 = arith.constant 16384 : i32
    %mul3A_149 = vector.broadcast %mul3A_148 : i32 to vector<16xi32>
    %mul3A_150 = arith.muli %get3A_147, %mul3A_149 : vector<16xi32>
    %add3A_151 = arith.constant 128 : i32
    %add3A_152 = arith.addi %mul3A_2, %add3A_151 : i32
    %add3A_153 = vector.broadcast %add3A_152 : i32 to vector<16xi32>
    %add3A_154 = arith.addi %iota3A_144, %add3A_153 : vector<16xi32>
    %add3A_155 = arith.addi %mul3A_150, %add3A_154 : vector<16xi32>
    %swap3A_156 = arith.constant 1 : i32
    %swap3A_157 = arith.index_cast %swap3A_156 : i32 to index
    %swap3A_158 = arith.constant 0 : index
    %swap3A_159 = tpu.vector_load %arg6[%swap3A_157, %swap3A_158] {strides = array<i32>} : memref<4x128xi32, #tpu.memory_space<vmem>>, vector<1x16xi32>,
    %swap3A_160 = vector.shape_cast %swap3A_159 : vector<1x16xi32> to vector<16xi32>
    %swap3A_161 = vector.shape_cast %add3A_155 : vector<16xi32> to vector<1x16xi32>
    tpu.vector_store %arg6[%swap3A_157, %swap3A_158], %swap3A_161 {strides = array<i32>} : memref<4x128xi32, #tpu.memory_space<vmem>>, vector<1x16xi32>,
    %iota3A_162 = tpu.iota {dimensions = array<i32: 0>} : vector<16xi32>
    %get3A_163 = arith.constant 144 : index
    %get3A_164 = tpu.vector_load %arg5[%get3A_163] {strides = array<i32>} : memref<512xi32, #tpu.memory_space<vmem>>, vector<16xi32>,
    %get3A_165 = vector.shape_cast %get3A_164 : vector<16xi32> to vector<16xi32>
    %mul3A_166 = arith.constant 16384 : i32
    %mul3A_167 = vector.broadcast %mul3A_166 : i32 to vector<16xi32>
    %mul3A_168 = arith.muli %get3A_165, %mul3A_167 : vector<16xi32>
    %add3A_169 = arith.constant 144 : i32
    %add3A_170 = arith.addi %mul3A_2, %add3A_169 : i32
    %add3A_171 = vector.broadcast %add3A_170 : i32 to vector<16xi32>
    %add3A_172 = arith.addi %iota3A_162, %add3A_171 : vector<16xi32>
    %add3A_173 = arith.addi %mul3A_168, %add3A_172 : vector<16xi32>
    %swap3A_174 = arith.constant 1 : i32
    %swap3A_175 = arith.index_cast %swap3A_174 : i32 to index
    %swap3A_176 = arith.constant 16 : index
    %swap3A_177 = tpu.vector_load %arg6[%swap3A_175, %swap3A_176] {strides = array<i32>} : memref<4x128xi32, #tpu.memory_space<vmem>>, vector<1x16xi32>,
    %swap3A_178 = vector.shape_cast %swap3A_177 : vector<1x16xi32> to vector<16xi32>
    %swap3A_179 = vector.shape_cast %add3A_173 : vector<16xi32> to vector<1x16xi32>
    tpu.vector_store %arg6[%swap3A_175, %swap3A_176], %swap3A_179 {strides = array<i32>} : memref<4x128xi32, #tpu.memory_space<vmem>>, vector<1x16xi32>,
    %iota3A_180 = tpu.iota {dimensions = array<i32: 0>} : vector<16xi32>
    %get3A_181 = arith.constant 160 : index
    %get3A_182 = tpu.vector_load %arg5[%get3A_181] {strides = array<i32>} : memref<512xi32, #tpu.memory_space<vmem>>, vector<16xi32>,
    %get3A_183 = vector.shape_cast %get3A_182 : vector<16xi32> to vector<16xi32>
    %mul3A_184 = arith.constant 16384 : i32
    %mul3A_185 = vector.broadcast %mul3A_184 : i32 to vector<16xi32>
    %mul3A_186 = arith.muli %get3A_183, %mul3A_185 : vector<16xi32>
    %add3A_187 = arith.constant 160 : i32
    %add3A_188 = arith.addi %mul3A_2, %add3A_187 : i32
    %add3A_189 = vector.broadcast %add3A_188 : i32 to vector<16xi32>
    %add3A_190 = arith.addi %iota3A_180, %add3A_189 : vector<16xi32>
    %add3A_191 = arith.addi %mul3A_186, %add3A_190 : vector<16xi32>
    %swap3A_192 = arith.constant 1 : i32
    %swap3A_193 = arith.index_cast %swap3A_192 : i32 to index
    %swap3A_194 = arith.constant 32 : index
    %swap3A_195 = tpu.vector_load %arg6[%swap3A_193, %swap3A_194] {strides = array<i32>} : memref<4x128xi32, #tpu.memory_space<vmem>>, vector<1x16xi32>,
    %swap3A_196 = vector.shape_cast %swap3A_195 : vector<1x16xi32> to vector<16xi32>
    %swap3A_197 = vector.shape_cast %add3A_191 : vector<16xi32> to vector<1x16xi32>
    tpu.vector_store %arg6[%swap3A_193, %swap3A_194], %swap3A_197 {strides = array<i32>} : memref<4x128xi32, #tpu.memory_space<vmem>>, vector<1x16xi32>,
    %iota3A_198 = tpu.iota {dimensions = array<i32: 0>} : vector<16xi32>
    %get3A_199 = arith.constant 176 : index
    %get3A_200 = tpu.vector_load %arg5[%get3A_199] {strides = array<i32>} : memref<512xi32, #tpu.memory_space<vmem>>, vector<16xi32>,
    %get3A_201 = vector.shape_cast %get3A_200 : vector<16xi32> to vector<16xi32>
    %mul3A_202 = arith.constant 16384 : i32
    %mul3A_203 = vector.broadcast %mul3A_202 : i32 to vector<16xi32>
    %mul3A_204 = arith.muli %get3A_201, %mul3A_203 : vector<16xi32>
    %add3A_205 = arith.constant 176 : i32
    %add3A_206 = arith.addi %mul3A_2, %add3A_205 : i32
    %add3A_207 = vector.broadcast %add3A_206 : i32 to vector<16xi32>
    %add3A_208 = arith.addi %iota3A_198, %add3A_207 : vector<16xi32>
    %add3A_209 = arith.addi %mul3A_204, %add3A_208 : vector<16xi32>
    %swap3A_210 = arith.constant 1 : i32
    %swap3A_211 = arith.index_cast %swap3A_210 : i32 to index
    %swap3A_212 = arith.constant 48 : index
    %swap3A_213 = tpu.vector_load %arg6[%swap3A_211, %swap3A_212] {strides = array<i32>} : memref<4x128xi32, #tpu.memory_space<vmem>>, vector<1x16xi32>,
    %swap3A_214 = vector.shape_cast %swap3A_213 : vector<1x16xi32> to vector<16xi32>
    %swap3A_215 = vector.shape_cast %add3A_209 : vector<16xi32> to vector<1x16xi32>
    tpu.vector_store %arg6[%swap3A_211, %swap3A_212], %swap3A_215 {strides = array<i32>} : memref<4x128xi32, #tpu.memory_space<vmem>>, vector<1x16xi32>,
    %iota3A_216 = tpu.iota {dimensions = array<i32: 0>} : vector<16xi32>
    %get3A_217 = arith.constant 192 : index
    %get3A_218 = tpu.vector_load %arg5[%get3A_217] {strides = array<i32>} : memref<512xi32, #tpu.memory_space<vmem>>, vector<16xi32>,
    %get3A_219 = vector.shape_cast %get3A_218 : vector<16xi32> to vector<16xi32>
    %mul3A_220 = arith.constant 16384 : i32
    %mul3A_221 = vector.broadcast %mul3A_220 : i32 to vector<16xi32>
    %mul3A_222 = arith.muli %get3A_219, %mul3A_221 : vector<16xi32>
    %add3A_223 = arith.constant 192 : i32
    %add3A_224 = arith.addi %mul3A_2, %add3A_223 : i32
    %add3A_225 = vector.broadcast %add3A_224 : i32 to vector<16xi32>
    %add3A_226 = arith.addi %iota3A_216, %add3A_225 : vector<16xi32>
    %add3A_227 = arith.addi %mul3A_222, %add3A_226 : vector<16xi32>
    %swap3A_228 = arith.constant 1 : i32
    %swap3A_229 = arith.index_cast %swap3A_228 : i32 to index
    %swap3A_230 = arith.constant 64 : index
    %swap3A_231 = tpu.vector_load %arg6[%swap3A_229, %swap3A_230] {strides = array<i32>} : memref<4x128xi32, #tpu.memory_space<vmem>>, vector<1x16xi32>,
    %swap3A_232 = vector.shape_cast %swap3A_231 : vector<1x16xi32> to vector<16xi32>
    %swap3A_233 = vector.shape_cast %add3A_227 : vector<16xi32> to vector<1x16xi32>
    tpu.vector_store %arg6[%swap3A_229, %swap3A_230], %swap3A_233 {strides = array<i32>} : memref<4x128xi32, #tpu.memory_space<vmem>>, vector<1x16xi32>,
    %iota3A_234 = tpu.iota {dimensions = array<i32: 0>} : vector<16xi32>
    %get3A_235 = arith.constant 208 : index
    %get3A_236 = tpu.vector_load %arg5[%get3A_235] {strides = array<i32>} : memref<512xi32, #tpu.memory_space<vmem>>, vector<16xi32>,
    %get3A_237 = vector.shape_cast %get3A_236 : vector<16xi32> to vector<16xi32>
    %mul3A_238 = arith.constant 16384 : i32
    %mul3A_239 = vector.broadcast %mul3A_238 : i32 to vector<16xi32>
    %mul3A_240 = arith.muli %get3A_237, %mul3A_239 : vector<16xi32>
    %add3A_241 = arith.constant 208 : i32
    %add3A_242 = arith.addi %mul3A_2, %add3A_241 : i32
    %add3A_243 = vector.broadcast %add3A_242 : i32 to vector<16xi32>
    %add3A_244 = arith.addi %iota3A_234, %add3A_243 : vector<16xi32>
    %add3A_245 = arith.addi %mul3A_240, %add3A_244 : vector<16xi32>
    %swap3A_246 = arith.constant 1 : i32
    %swap3A_247 = arith.index_cast %swap3A_246 : i32 to index
    %swap3A_248 = arith.constant 80 : index
    %swap3A_249 = tpu.vector_load %arg6[%swap3A_247, %swap3A_248] {strides = array<i32>} : memref<4x128xi32, #tpu.memory_space<vmem>>, vector<1x16xi32>,
    %swap3A_250 = vector.shape_cast %swap3A_249 : vector<1x16xi32> to vector<16xi32>
    %swap3A_251 = vector.shape_cast %add3A_245 : vector<16xi32> to vector<1x16xi32>
    tpu.vector_store %arg6[%swap3A_247, %swap3A_248], %swap3A_251 {strides = array<i32>} : memref<4x128xi32, #tpu.memory_space<vmem>>, vector<1x16xi32>,
    %iota3A_252 = tpu.iota {dimensions = array<i32: 0>} : vector<16xi32>
    %get3A_253 = arith.constant 224 : index
    %get3A_254 = tpu.vector_load %arg5[%get3A_253] {strides = array<i32>} : memref<512xi32, #tpu.memory_space<vmem>>, vector<16xi32>,
    %get3A_255 = vector.shape_cast %get3A_254 : vector<16xi32> to vector<16xi32>
    %mul3A_256 = arith.constant 16384 : i32
    %mul3A_257 = vector.broadcast %mul3A_256 : i32 to vector<16xi32>
    %mul3A_258 = arith.muli %get3A_255, %mul3A_257 : vector<16xi32>
    %add3A_259 = arith.constant 224 : i32
    %add3A_260 = arith.addi %mul3A_2, %add3A_259 : i32
    %add3A_261 = vector.broadcast %add3A_260 : i32 to vector<16xi32>
    %add3A_262 = arith.addi %iota3A_252, %add3A_261 : vector<16xi32>
    %add3A_263 = arith.addi %mul3A_258, %add3A_262 : vector<16xi32>
    %swap3A_264 = arith.constant 1 : i32
    %swap3A_265 = arith.index_cast %swap3A_264 : i32 to index
    %swap3A_266 = arith.constant 96 : index
    %swap3A_267 = tpu.vector_load %arg6[%swap3A_265, %swap3A_266] {strides = array<i32>} : memref<4x128xi32, #tpu.memory_space<vmem>>, vector<1x16xi32>,
    %swap3A_268 = vector.shape_cast %swap3A_267 : vector<1x16xi32> to vector<16xi32>
    %swap3A_269 = vector.shape_cast %add3A_263 : vector<16xi32> to vector<1x16xi32>
    tpu.vector_store %arg6[%swap3A_265, %swap3A_266], %swap3A_269 {strides = array<i32>} : memref<4x128xi32, #tpu.memory_space<vmem>>, vector<1x16xi32>,
    %iota3A_270 = tpu.iota {dimensions = array<i32: 0>} : vector<16xi32>
    %get3A_271 = arith.constant 240 : index
    %get3A_272 = tpu.vector_load %arg5[%get3A_271] {strides = array<i32>} : memref<512xi32, #tpu.memory_space<vmem>>, vector<16xi32>,
    %get3A_273 = vector.shape_cast %get3A_272 : vector<16xi32> to vector<16xi32>
    %mul3A_274 = arith.constant 16384 : i32
    %mul3A_275 = vector.broadcast %mul3A_274 : i32 to vector<16xi32>
    %mul3A_276 = arith.muli %get3A_273, %mul3A_275 : vector<16xi32>
    %add3A_277 = arith.constant 240 : i32
    %add3A_278 = arith.addi %mul3A_2, %add3A_277 : i32
    %add3A_279 = vector.broadcast %add3A_278 : i32 to vector<16xi32>
    %add3A_280 = arith.addi %iota3A_270, %add3A_279 : vector<16xi32>
    %add3A_281 = arith.addi %mul3A_276, %add3A_280 : vector<16xi32>
    %swap3A_282 = arith.constant 1 : i32
    %swap3A_283 = arith.index_cast %swap3A_282 : i32 to index
    %swap3A_284 = arith.constant 112 : index
    %swap3A_285 = tpu.vector_load %arg6[%swap3A_283, %swap3A_284] {strides = array<i32>} : memref<4x128xi32, #tpu.memory_space<vmem>>, vector<1x16xi32>,
    %swap3A_286 = vector.shape_cast %swap3A_285 : vector<1x16xi32> to vector<16xi32>
    %swap3A_287 = vector.shape_cast %add3A_281 : vector<16xi32> to vector<1x16xi32>
    tpu.vector_store %arg6[%swap3A_283, %swap3A_284], %swap3A_287 {strides = array<i32>} : memref<4x128xi32, #tpu.memory_space<vmem>>, vector<1x16xi32>,
    %iota3A_288 = tpu.iota {dimensions = array<i32: 0>} : vector<16xi32>
    %get3A_289 = arith.constant 256 : index
    %get3A_290 = tpu.vector_load %arg5[%get3A_289] {strides = array<i32>} : memref<512xi32, #tpu.memory_space<vmem>>, vector<16xi32>,
    %get3A_291 = vector.shape_cast %get3A_290 : vector<16xi32> to vector<16xi32>
    %mul3A_292 = arith.constant 16384 : i32
    %mul3A_293 = vector.broadcast %mul3A_292 : i32 to vector<16xi32>
    %mul3A_294 = arith.muli %get3A_291, %mul3A_293 : vector<16xi32>
    %add3A_295 = arith.constant 256 : i32
    %add3A_296 = arith.addi %mul3A_2, %add3A_295 : i32
    %add3A_297 = vector.broadcast %add3A_296 : i32 to vector<16xi32>
    %add3A_298 = arith.addi %iota3A_288, %add3A_297 : vector<16xi32>
    %add3A_299 = arith.addi %mul3A_294, %add3A_298 : vector<16xi32>
    %swap3A_300 = arith.constant 2 : i32
    %swap3A_301 = arith.index_cast %swap3A_300 : i32 to index
    %swap3A_302 = arith.constant 0 : index
    %swap3A_303 = tpu.vector_load %arg6[%swap3A_301, %swap3A_302] {strides = array<i32>} : memref<4x128xi32, #tpu.memory_space<vmem>>, vector<1x16xi32>,
    %swap3A_304 = vector.shape_cast %swap3A_303 : vector<1x16xi32> to vector<16xi32>
    %swap3A_305 = vector.shape_cast %add3A_299 : vector<16xi32> to vector<1x16xi32>
    tpu.vector_store %arg6[%swap3A_301, %swap3A_302], %swap3A_305 {strides = array<i32>} : memref<4x128xi32, #tpu.memory_space<vmem>>, vector<1x16xi32>,
    %iota3A_306 = tpu.iota {dimensions = array<i32: 0>} : vector<16xi32>
    %get3A_307 = arith.constant 272 : index
    %get3A_308 = tpu.vector_load %arg5[%get3A_307] {strides = array<i32>} : memref<512xi32, #tpu.memory_space<vmem>>, vector<16xi32>,
    %get3A_309 = vector.shape_cast %get3A_308 : vector<16xi32> to vector<16xi32>
    %mul3A_310 = arith.constant 16384 : i32
    %mul3A_311 = vector.broadcast %mul3A_310 : i32 to vector<16xi32>
    %mul3A_312 = arith.muli %get3A_309, %mul3A_311 : vector<16xi32>
    %add3A_313 = arith.constant 272 : i32
    %add3A_314 = arith.addi %mul3A_2, %add3A_313 : i32
    %add3A_315 = vector.broadcast %add3A_314 : i32 to vector<16xi32>
    %add3A_316 = arith.addi %iota3A_306, %add3A_315 : vector<16xi32>
    %add3A_317 = arith.addi %mul3A_312, %add3A_316 : vector<16xi32>
    %swap3A_318 = arith.constant 2 : i32
    %swap3A_319 = arith.index_cast %swap3A_318 : i32 to index
    %swap3A_320 = arith.constant 16 : index
    %swap3A_321 = tpu.vector_load %arg6[%swap3A_319, %swap3A_320] {strides = array<i32>} : memref<4x128xi32, #tpu.memory_space<vmem>>, vector<1x16xi32>,
    %swap3A_322 = vector.shape_cast %swap3A_321 : vector<1x16xi32> to vector<16xi32>
    %swap3A_323 = vector.shape_cast %add3A_317 : vector<16xi32> to vector<1x16xi32>
    tpu.vector_store %arg6[%swap3A_319, %swap3A_320], %swap3A_323 {strides = array<i32>} : memref<4x128xi32, #tpu.memory_space<vmem>>, vector<1x16xi32>,
    %iota3A_324 = tpu.iota {dimensions = array<i32: 0>} : vector<16xi32>
    %get3A_325 = arith.constant 288 : index
    %get3A_326 = tpu.vector_load %arg5[%get3A_325] {strides = array<i32>} : memref<512xi32, #tpu.memory_space<vmem>>, vector<16xi32>,
    %get3A_327 = vector.shape_cast %get3A_326 : vector<16xi32> to vector<16xi32>
    %mul3A_328 = arith.constant 16384 : i32
    %mul3A_329 = vector.broadcast %mul3A_328 : i32 to vector<16xi32>
    %mul3A_330 = arith.muli %get3A_327, %mul3A_329 : vector<16xi32>
    %add3A_331 = arith.constant 288 : i32
    %add3A_332 = arith.addi %mul3A_2, %add3A_331 : i32
    %add3A_333 = vector.broadcast %add3A_332 : i32 to vector<16xi32>
    %add3A_334 = arith.addi %iota3A_324, %add3A_333 : vector<16xi32>
    %add3A_335 = arith.addi %mul3A_330, %add3A_334 : vector<16xi32>
    %swap3A_336 = arith.constant 2 : i32
    %swap3A_337 = arith.index_cast %swap3A_336 : i32 to index
    %swap3A_338 = arith.constant 32 : index
    %swap3A_339 = tpu.vector_load %arg6[%swap3A_337, %swap3A_338] {strides = array<i32>} : memref<4x128xi32, #tpu.memory_space<vmem>>, vector<1x16xi32>,
    %swap3A_340 = vector.shape_cast %swap3A_339 : vector<1x16xi32> to vector<16xi32>
    %swap3A_341 = vector.shape_cast %add3A_335 : vector<16xi32> to vector<1x16xi32>
    tpu.vector_store %arg6[%swap3A_337, %swap3A_338], %swap3A_341 {strides = array<i32>} : memref<4x128xi32, #tpu.memory_space<vmem>>, vector<1x16xi32>,
    %iota3A_342 = tpu.iota {dimensions = array<i32: 0>} : vector<16xi32>
    %get3A_343 = arith.constant 304 : index
    %get3A_344 = tpu.vector_load %arg5[%get3A_343] {strides = array<i32>} : memref<512xi32, #tpu.memory_space<vmem>>, vector<16xi32>,
    %get3A_345 = vector.shape_cast %get3A_344 : vector<16xi32> to vector<16xi32>
    %mul3A_346 = arith.constant 16384 : i32
    %mul3A_347 = vector.broadcast %mul3A_346 : i32 to vector<16xi32>
    %mul3A_348 = arith.muli %get3A_345, %mul3A_347 : vector<16xi32>
    %add3A_349 = arith.constant 304 : i32
    %add3A_350 = arith.addi %mul3A_2, %add3A_349 : i32
    %add3A_351 = vector.broadcast %add3A_350 : i32 to vector<16xi32>
    %add3A_352 = arith.addi %iota3A_342, %add3A_351 : vector<16xi32>
    %add3A_353 = arith.addi %mul3A_348, %add3A_352 : vector<16xi32>
    %swap3A_354 = arith.constant 2 : i32
    %swap3A_355 = arith.index_cast %swap3A_354 : i32 to index
    %swap3A_356 = arith.constant 48 : index
    %swap3A_357 = tpu.vector_load %arg6[%swap3A_355, %swap3A_356] {strides = array<i32>} : memref<4x128xi32, #tpu.memory_space<vmem>>, vector<1x16xi32>,
    %swap3A_358 = vector.shape_cast %swap3A_357 : vector<1x16xi32> to vector<16xi32>
    %swap3A_359 = vector.shape_cast %add3A_353 : vector<16xi32> to vector<1x16xi32>
    tpu.vector_store %arg6[%swap3A_355, %swap3A_356], %swap3A_359 {strides = array<i32>} : memref<4x128xi32, #tpu.memory_space<vmem>>, vector<1x16xi32>,
    %iota3A_360 = tpu.iota {dimensions = array<i32: 0>} : vector<16xi32>
    %get3A_361 = arith.constant 320 : index
    %get3A_362 = tpu.vector_load %arg5[%get3A_361] {strides = array<i32>} : memref<512xi32, #tpu.memory_space<vmem>>, vector<16xi32>,
    %get3A_363 = vector.shape_cast %get3A_362 : vector<16xi32> to vector<16xi32>
    %mul3A_364 = arith.constant 16384 : i32
    %mul3A_365 = vector.broadcast %mul3A_364 : i32 to vector<16xi32>
    %mul3A_366 = arith.muli %get3A_363, %mul3A_365 : vector<16xi32>
    %add3A_367 = arith.constant 320 : i32
    %add3A_368 = arith.addi %mul3A_2, %add3A_367 : i32
    %add3A_369 = vector.broadcast %add3A_368 : i32 to vector<16xi32>
    %add3A_370 = arith.addi %iota3A_360, %add3A_369 : vector<16xi32>
    %add3A_371 = arith.addi %mul3A_366, %add3A_370 : vector<16xi32>
    %swap3A_372 = arith.constant 2 : i32
    %swap3A_373 = arith.index_cast %swap3A_372 : i32 to index
    %swap3A_374 = arith.constant 64 : index
    %swap3A_375 = tpu.vector_load %arg6[%swap3A_373, %swap3A_374] {strides = array<i32>} : memref<4x128xi32, #tpu.memory_space<vmem>>, vector<1x16xi32>,
    %swap3A_376 = vector.shape_cast %swap3A_375 : vector<1x16xi32> to vector<16xi32>
    %swap3A_377 = vector.shape_cast %add3A_371 : vector<16xi32> to vector<1x16xi32>
    tpu.vector_store %arg6[%swap3A_373, %swap3A_374], %swap3A_377 {strides = array<i32>} : memref<4x128xi32, #tpu.memory_space<vmem>>, vector<1x16xi32>,
    %iota3A_378 = tpu.iota {dimensions = array<i32: 0>} : vector<16xi32>
    %get3A_379 = arith.constant 336 : index
    %get3A_380 = tpu.vector_load %arg5[%get3A_379] {strides = array<i32>} : memref<512xi32, #tpu.memory_space<vmem>>, vector<16xi32>,
    %get3A_381 = vector.shape_cast %get3A_380 : vector<16xi32> to vector<16xi32>
    %mul3A_382 = arith.constant 16384 : i32
    %mul3A_383 = vector.broadcast %mul3A_382 : i32 to vector<16xi32>
    %mul3A_384 = arith.muli %get3A_381, %mul3A_383 : vector<16xi32>
    %add3A_385 = arith.constant 336 : i32
    %add3A_386 = arith.addi %mul3A_2, %add3A_385 : i32
    %add3A_387 = vector.broadcast %add3A_386 : i32 to vector<16xi32>
    %add3A_388 = arith.addi %iota3A_378, %add3A_387 : vector<16xi32>
    %add3A_389 = arith.addi %mul3A_384, %add3A_388 : vector<16xi32>
    %swap3A_390 = arith.constant 2 : i32
    %swap3A_391 = arith.index_cast %swap3A_390 : i32 to index
    %swap3A_392 = arith.constant 80 : index
    %swap3A_393 = tpu.vector_load %arg6[%swap3A_391, %swap3A_392] {strides = array<i32>} : memref<4x128xi32, #tpu.memory_space<vmem>>, vector<1x16xi32>,
    %swap3A_394 = vector.shape_cast %swap3A_393 : vector<1x16xi32> to vector<16xi32>
    %swap3A_395 = vector.shape_cast %add3A_389 : vector<16xi32> to vector<1x16xi32>
    tpu.vector_store %arg6[%swap3A_391, %swap3A_392], %swap3A_395 {strides = array<i32>} : memref<4x128xi32, #tpu.memory_space<vmem>>, vector<1x16xi32>,
    %iota3A_396 = tpu.iota {dimensions = array<i32: 0>} : vector<16xi32>
    %get3A_397 = arith.constant 352 : index
    %get3A_398 = tpu.vector_load %arg5[%get3A_397] {strides = array<i32>} : memref<512xi32, #tpu.memory_space<vmem>>, vector<16xi32>,
    %get3A_399 = vector.shape_cast %get3A_398 : vector<16xi32> to vector<16xi32>
    %mul3A_400 = arith.constant 16384 : i32
    %mul3A_401 = vector.broadcast %mul3A_400 : i32 to vector<16xi32>
    %mul3A_402 = arith.muli %get3A_399, %mul3A_401 : vector<16xi32>
    %add3A_403 = arith.constant 352 : i32
    %add3A_404 = arith.addi %mul3A_2, %add3A_403 : i32
    %add3A_405 = vector.broadcast %add3A_404 : i32 to vector<16xi32>
    %add3A_406 = arith.addi %iota3A_396, %add3A_405 : vector<16xi32>
    %add3A_407 = arith.addi %mul3A_402, %add3A_406 : vector<16xi32>
    %swap3A_408 = arith.constant 2 : i32
    %swap3A_409 = arith.index_cast %swap3A_408 : i32 to index
    %swap3A_410 = arith.constant 96 : index
    %swap3A_411 = tpu.vector_load %arg6[%swap3A_409, %swap3A_410] {strides = array<i32>} : memref<4x128xi32, #tpu.memory_space<vmem>>, vector<1x16xi32>,
    %swap3A_412 = vector.shape_cast %swap3A_411 : vector<1x16xi32> to vector<16xi32>
    %swap3A_413 = vector.shape_cast %add3A_407 : vector<16xi32> to vector<1x16xi32>
    tpu.vector_store %arg6[%swap3A_409, %swap3A_410], %swap3A_413 {strides = array<i32>} : memref<4x128xi32, #tpu.memory_space<vmem>>, vector<1x16xi32>,
    %iota3A_414 = tpu.iota {dimensions = array<i32: 0>} : vector<16xi32>
    %get3A_415 = arith.constant 368 : index
    %get3A_416 = tpu.vector_load %arg5[%get3A_415] {strides = array<i32>} : memref<512xi32, #tpu.memory_space<vmem>>, vector<16xi32>,
    %get3A_417 = vector.shape_cast %get3A_416 : vector<16xi32> to vector<16xi32>
    %mul3A_418 = arith.constant 16384 : i32
    %mul3A_419 = vector.broadcast %mul3A_418 : i32 to vector<16xi32>
    %mul3A_420 = arith.muli %get3A_417, %mul3A_419 : vector<16xi32>
    %add3A_421 = arith.constant 368 : i32
    %add3A_422 = arith.addi %mul3A_2, %add3A_421 : i32
    %add3A_423 = vector.broadcast %add3A_422 : i32 to vector<16xi32>
    %add3A_424 = arith.addi %iota3A_414, %add3A_423 : vector<16xi32>
    %add3A_425 = arith.addi %mul3A_420, %add3A_424 : vector<16xi32>
    %swap3A_426 = arith.constant 2 : i32
    %swap3A_427 = arith.index_cast %swap3A_426 : i32 to index
    %swap3A_428 = arith.constant 112 : index
    %swap3A_429 = tpu.vector_load %arg6[%swap3A_427, %swap3A_428] {strides = array<i32>} : memref<4x128xi32, #tpu.memory_space<vmem>>, vector<1x16xi32>,
    %swap3A_430 = vector.shape_cast %swap3A_429 : vector<1x16xi32> to vector<16xi32>
    %swap3A_431 = vector.shape_cast %add3A_425 : vector<16xi32> to vector<1x16xi32>
    tpu.vector_store %arg6[%swap3A_427, %swap3A_428], %swap3A_431 {strides = array<i32>} : memref<4x128xi32, #tpu.memory_space<vmem>>, vector<1x16xi32>,
    %iota3A_432 = tpu.iota {dimensions = array<i32: 0>} : vector<16xi32>
    %get3A_433 = arith.constant 384 : index
    %get3A_434 = tpu.vector_load %arg5[%get3A_433] {strides = array<i32>} : memref<512xi32, #tpu.memory_space<vmem>>, vector<16xi32>,
    %get3A_435 = vector.shape_cast %get3A_434 : vector<16xi32> to vector<16xi32>
    %mul3A_436 = arith.constant 16384 : i32
    %mul3A_437 = vector.broadcast %mul3A_436 : i32 to vector<16xi32>
    %mul3A_438 = arith.muli %get3A_435, %mul3A_437 : vector<16xi32>
    %add3A_439 = arith.constant 384 : i32
    %add3A_440 = arith.addi %mul3A_2, %add3A_439 : i32
    %add3A_441 = vector.broadcast %add3A_440 : i32 to vector<16xi32>
    %add3A_442 = arith.addi %iota3A_432, %add3A_441 : vector<16xi32>
    %add3A_443 = arith.addi %mul3A_438, %add3A_442 : vector<16xi32>
    %swap3A_444 = arith.constant 3 : i32
    %swap3A_445 = arith.index_cast %swap3A_444 : i32 to index
    %swap3A_446 = arith.constant 0 : index
    %swap3A_447 = tpu.vector_load %arg6[%swap3A_445, %swap3A_446] {strides = array<i32>} : memref<4x128xi32, #tpu.memory_space<vmem>>, vector<1x16xi32>,
    %swap3A_448 = vector.shape_cast %swap3A_447 : vector<1x16xi32> to vector<16xi32>
    %swap3A_449 = vector.shape_cast %add3A_443 : vector<16xi32> to vector<1x16xi32>
    tpu.vector_store %arg6[%swap3A_445, %swap3A_446], %swap3A_449 {strides = array<i32>} : memref<4x128xi32, #tpu.memory_space<vmem>>, vector<1x16xi32>,
    %iota3A_450 = tpu.iota {dimensions = array<i32: 0>} : vector<16xi32>
    %get3A_451 = arith.constant 400 : index
    %get3A_452 = tpu.vector_load %arg5[%get3A_451] {strides = array<i32>} : memref<512xi32, #tpu.memory_space<vmem>>, vector<16xi32>,
    %get3A_453 = vector.shape_cast %get3A_452 : vector<16xi32> to vector<16xi32>
    %mul3A_454 = arith.constant 16384 : i32
    %mul3A_455 = vector.broadcast %mul3A_454 : i32 to vector<16xi32>
    %mul3A_456 = arith.muli %get3A_453, %mul3A_455 : vector<16xi32>
    %add3A_457 = arith.constant 400 : i32
    %add3A_458 = arith.addi %mul3A_2, %add3A_457 : i32
    %add3A_459 = vector.broadcast %add3A_458 : i32 to vector<16xi32>
    %add3A_460 = arith.addi %iota3A_450, %add3A_459 : vector<16xi32>
    %add3A_461 = arith.addi %mul3A_456, %add3A_460 : vector<16xi32>
    %swap3A_462 = arith.constant 3 : i32
    %swap3A_463 = arith.index_cast %swap3A_462 : i32 to index
    %swap3A_464 = arith.constant 16 : index
    %swap3A_465 = tpu.vector_load %arg6[%swap3A_463, %swap3A_464] {strides = array<i32>} : memref<4x128xi32, #tpu.memory_space<vmem>>, vector<1x16xi32>,
    %swap3A_466 = vector.shape_cast %swap3A_465 : vector<1x16xi32> to vector<16xi32>
    %swap3A_467 = vector.shape_cast %add3A_461 : vector<16xi32> to vector<1x16xi32>
    tpu.vector_store %arg6[%swap3A_463, %swap3A_464], %swap3A_467 {strides = array<i32>} : memref<4x128xi32, #tpu.memory_space<vmem>>, vector<1x16xi32>,
    %iota3A_468 = tpu.iota {dimensions = array<i32: 0>} : vector<16xi32>
    %get3A_469 = arith.constant 416 : index
    %get3A_470 = tpu.vector_load %arg5[%get3A_469] {strides = array<i32>} : memref<512xi32, #tpu.memory_space<vmem>>, vector<16xi32>,
    %get3A_471 = vector.shape_cast %get3A_470 : vector<16xi32> to vector<16xi32>
    %mul3A_472 = arith.constant 16384 : i32
    %mul3A_473 = vector.broadcast %mul3A_472 : i32 to vector<16xi32>
    %mul3A_474 = arith.muli %get3A_471, %mul3A_473 : vector<16xi32>
    %add3A_475 = arith.constant 416 : i32
    %add3A_476 = arith.addi %mul3A_2, %add3A_475 : i32
    %add3A_477 = vector.broadcast %add3A_476 : i32 to vector<16xi32>
    %add3A_478 = arith.addi %iota3A_468, %add3A_477 : vector<16xi32>
    %add3A_479 = arith.addi %mul3A_474, %add3A_478 : vector<16xi32>
    %swap3A_480 = arith.constant 3 : i32
    %swap3A_481 = arith.index_cast %swap3A_480 : i32 to index
    %swap3A_482 = arith.constant 32 : index
    %swap3A_483 = tpu.vector_load %arg6[%swap3A_481, %swap3A_482] {strides = array<i32>} : memref<4x128xi32, #tpu.memory_space<vmem>>, vector<1x16xi32>,
    %swap3A_484 = vector.shape_cast %swap3A_483 : vector<1x16xi32> to vector<16xi32>
    %swap3A_485 = vector.shape_cast %add3A_479 : vector<16xi32> to vector<1x16xi32>
    tpu.vector_store %arg6[%swap3A_481, %swap3A_482], %swap3A_485 {strides = array<i32>} : memref<4x128xi32, #tpu.memory_space<vmem>>, vector<1x16xi32>,
    %iota3A_486 = tpu.iota {dimensions = array<i32: 0>} : vector<16xi32>
    %get3A_487 = arith.constant 432 : index
    %get3A_488 = tpu.vector_load %arg5[%get3A_487] {strides = array<i32>} : memref<512xi32, #tpu.memory_space<vmem>>, vector<16xi32>,
    %get3A_489 = vector.shape_cast %get3A_488 : vector<16xi32> to vector<16xi32>
    %mul3A_490 = arith.constant 16384 : i32
    %mul3A_491 = vector.broadcast %mul3A_490 : i32 to vector<16xi32>
    %mul3A_492 = arith.muli %get3A_489, %mul3A_491 : vector<16xi32>
    %add3A_493 = arith.constant 432 : i32
    %add3A_494 = arith.addi %mul3A_2, %add3A_493 : i32
    %add3A_495 = vector.broadcast %add3A_494 : i32 to vector<16xi32>
    %add3A_496 = arith.addi %iota3A_486, %add3A_495 : vector<16xi32>
    %add3A_497 = arith.addi %mul3A_492, %add3A_496 : vector<16xi32>
    %swap3A_498 = arith.constant 3 : i32
    %swap3A_499 = arith.index_cast %swap3A_498 : i32 to index
    %swap3A_500 = arith.constant 48 : index
    %swap3A_501 = tpu.vector_load %arg6[%swap3A_499, %swap3A_500] {strides = array<i32>} : memref<4x128xi32, #tpu.memory_space<vmem>>, vector<1x16xi32>,
    %swap3A_502 = vector.shape_cast %swap3A_501 : vector<1x16xi32> to vector<16xi32>
    %swap3A_503 = vector.shape_cast %add3A_497 : vector<16xi32> to vector<1x16xi32>
    tpu.vector_store %arg6[%swap3A_499, %swap3A_500], %swap3A_503 {strides = array<i32>} : memref<4x128xi32, #tpu.memory_space<vmem>>, vector<1x16xi32>,
    %iota3A_504 = tpu.iota {dimensions = array<i32: 0>} : vector<16xi32>
    %get3A_505 = arith.constant 448 : index
    %get3A_506 = tpu.vector_load %arg5[%get3A_505] {strides = array<i32>} : memref<512xi32, #tpu.memory_space<vmem>>, vector<16xi32>,
    %get3A_507 = vector.shape_cast %get3A_506 : vector<16xi32> to vector<16xi32>
    %mul3A_508 = arith.constant 16384 : i32
    %mul3A_509 = vector.broadcast %mul3A_508 : i32 to vector<16xi32>
    %mul3A_510 = arith.muli %get3A_507, %mul3A_509 : vector<16xi32>
    %add3A_511 = arith.constant 448 : i32
    %add3A_512 = arith.addi %mul3A_2, %add3A_511 : i32
    %add3A_513 = vector.broadcast %add3A_512 : i32 to vector<16xi32>
    %add3A_514 = arith.addi %iota3A_504, %add3A_513 : vector<16xi32>
    %add3A_515 = arith.addi %mul3A_510, %add3A_514 : vector<16xi32>
    %swap3A_516 = arith.constant 3 : i32
    %swap3A_517 = arith.index_cast %swap3A_516 : i32 to index
    %swap3A_518 = arith.constant 64 : index
    %swap3A_519 = tpu.vector_load %arg6[%swap3A_517, %swap3A_518] {strides = array<i32>} : memref<4x128xi32, #tpu.memory_space<vmem>>, vector<1x16xi32>,
    %swap3A_520 = vector.shape_cast %swap3A_519 : vector<1x16xi32> to vector<16xi32>
    %swap3A_521 = vector.shape_cast %add3A_515 : vector<16xi32> to vector<1x16xi32>
    tpu.vector_store %arg6[%swap3A_517, %swap3A_518], %swap3A_521 {strides = array<i32>} : memref<4x128xi32, #tpu.memory_space<vmem>>, vector<1x16xi32>,
    %iota3A_522 = tpu.iota {dimensions = array<i32: 0>} : vector<16xi32>
    %get3A_523 = arith.constant 464 : index
    %get3A_524 = tpu.vector_load %arg5[%get3A_523] {strides = array<i32>} : memref<512xi32, #tpu.memory_space<vmem>>, vector<16xi32>,
    %get3A_525 = vector.shape_cast %get3A_524 : vector<16xi32> to vector<16xi32>
    %mul3A_526 = arith.constant 16384 : i32
    %mul3A_527 = vector.broadcast %mul3A_526 : i32 to vector<16xi32>
    %mul3A_528 = arith.muli %get3A_525, %mul3A_527 : vector<16xi32>
    %add3A_529 = arith.constant 464 : i32
    %add3A_530 = arith.addi %mul3A_2, %add3A_529 : i32
    %add3A_531 = vector.broadcast %add3A_530 : i32 to vector<16xi32>
    %add3A_532 = arith.addi %iota3A_522, %add3A_531 : vector<16xi32>
    %add3A_533 = arith.addi %mul3A_528, %add3A_532 : vector<16xi32>
    %swap3A_534 = arith.constant 3 : i32
    %swap3A_535 = arith.index_cast %swap3A_534 : i32 to index
    %swap3A_536 = arith.constant 80 : index
    %swap3A_537 = tpu.vector_load %arg6[%swap3A_535, %swap3A_536] {strides = array<i32>} : memref<4x128xi32, #tpu.memory_space<vmem>>, vector<1x16xi32>,
    %swap3A_538 = vector.shape_cast %swap3A_537 : vector<1x16xi32> to vector<16xi32>
    %swap3A_539 = vector.shape_cast %add3A_533 : vector<16xi32> to vector<1x16xi32>
    tpu.vector_store %arg6[%swap3A_535, %swap3A_536], %swap3A_539 {strides = array<i32>} : memref<4x128xi32, #tpu.memory_space<vmem>>, vector<1x16xi32>,
    %iota3A_540 = tpu.iota {dimensions = array<i32: 0>} : vector<16xi32>
    %get3A_541 = arith.constant 480 : index
    %get3A_542 = tpu.vector_load %arg5[%get3A_541] {strides = array<i32>} : memref<512xi32, #tpu.memory_space<vmem>>, vector<16xi32>,
    %get3A_543 = vector.shape_cast %get3A_542 : vector<16xi32> to vector<16xi32>
    %mul3A_544 = arith.constant 16384 : i32
    %mul3A_545 = vector.broadcast %mul3A_544 : i32 to vector<16xi32>
    %mul3A_546 = arith.muli %get3A_543, %mul3A_545 : vector<16xi32>
    %add3A_547 = arith.constant 480 : i32
    %add3A_548 = arith.addi %mul3A_2, %add3A_547 : i32
    %add3A_549 = vector.broadcast %add3A_548 : i32 to vector<16xi32>
    %add3A_550 = arith.addi %iota3A_540, %add3A_549 : vector<16xi32>
    %add3A_551 = arith.addi %mul3A_546, %add3A_550 : vector<16xi32>
    %swap3A_552 = arith.constant 3 : i32
    %swap3A_553 = arith.index_cast %swap3A_552 : i32 to index
    %swap3A_554 = arith.constant 96 : index
    %swap3A_555 = tpu.vector_load %arg6[%swap3A_553, %swap3A_554] {strides = array<i32>} : memref<4x128xi32, #tpu.memory_space<vmem>>, vector<1x16xi32>,
    %swap3A_556 = vector.shape_cast %swap3A_555 : vector<1x16xi32> to vector<16xi32>
    %swap3A_557 = vector.shape_cast %add3A_551 : vector<16xi32> to vector<1x16xi32>
    tpu.vector_store %arg6[%swap3A_553, %swap3A_554], %swap3A_557 {strides = array<i32>} : memref<4x128xi32, #tpu.memory_space<vmem>>, vector<1x16xi32>,
    %iota3A_558 = tpu.iota {dimensions = array<i32: 0>} : vector<16xi32>
    %get3A_559 = arith.constant 496 : index
    %get3A_560 = tpu.vector_load %arg5[%get3A_559] {strides = array<i32>} : memref<512xi32, #tpu.memory_space<vmem>>, vector<16xi32>,
    %get3A_561 = vector.shape_cast %get3A_560 : vector<16xi32> to vector<16xi32>
    %mul3A_562 = arith.constant 16384 : i32
    %mul3A_563 = vector.broadcast %mul3A_562 : i32 to vector<16xi32>
    %mul3A_564 = arith.muli %get3A_561, %mul3A_563 : vector<16xi32>
    %add3A_565 = arith.constant 496 : i32
    %add3A_566 = arith.addi %mul3A_2, %add3A_565 : i32
    %add3A_567 = vector.broadcast %add3A_566 : i32 to vector<16xi32>
    %add3A_568 = arith.addi %iota3A_558, %add3A_567 : vector<16xi32>
    %add3A_569 = arith.addi %mul3A_564, %add3A_568 : vector<16xi32>
    %swap3A_570 = arith.constant 3 : i32
    %swap3A_571 = arith.index_cast %swap3A_570 : i32 to index
    %swap3A_572 = arith.constant 112 : index
    %swap3A_573 = tpu.vector_load %arg6[%swap3A_571, %swap3A_572] {strides = array<i32>} : memref<4x128xi32, #tpu.memory_space<vmem>>, vector<1x16xi32>,
    %swap3A_574 = vector.shape_cast %swap3A_573 : vector<1x16xi32> to vector<16xi32>
    %swap3A_575 = vector.shape_cast %add3A_569 : vector<16xi32> to vector<1x16xi32>
    tpu.vector_store %arg6[%swap3A_571, %swap3A_572], %swap3A_575 {strides = array<i32>} : memref<4x128xi32, #tpu.memory_space<vmem>>, vector<1x16xi32>,
    %dma_start3A = arith.constant 0 : i32
    %dma_start3A_576 = arith.constant 0 : i32
    %dma_start3A_577 = tpu.memref_slice %arg7[%dma_start3A_576] : memref<512xf32, #tpu.memory_space<vmem>> -> memref<128xf32, #tpu.memory_space<vmem>>
    %dma_start3A_578 = arith.constant 0 : i32
    %dma_start3A_579 = tpu.memref_slice %arg6[%dma_start3A, %dma_start3A_578] : memref<4x128xi32, #tpu.memory_space<vmem>> -> memref<1x128xi32, #tpu.memory_space<vmem>>
    %dma_start3A_580 = tpu.memref_squeeze %dma_start3A_579 : memref<1x128xi32, #tpu.memory_space<vmem>> -> memref<128xi32, #tpu.memory_space<vmem>>
    %dma_start3A_581 = arith.constant 0 : i32
    %dma_start3A_582 = tpu.memref_slice %arg2[%dma_start3A_581] : memref<131072xf32, #tpu.memory_space<hbm>> -> memref<131072xf32, #tpu.memory_space<hbm>>
    tpu.enqueue_indirect_dma source(%dma_start3A_582 : memref<131072xf32, #tpu.memory_space<hbm>>) target(%dma_start3A_577 : memref<128xf32, #tpu.memory_space<vmem>>) offsets(%dma_start3A_580 : memref<128xi32, #tpu.memory_space<vmem>>) semaphore(%arg8 : memref<!tpu.dma_semaphore, #tpu.memory_space<semaphore_mem>>)
    %dma_wait3A = arith.constant 0 : i32
    %dma_wait3A_583 = arith.constant 0 : i32
    %dma_wait3A_584 = tpu.memref_slice %arg7[%dma_wait3A_583] : memref<512xf32, #tpu.memory_space<vmem>> -> memref<128xf32, #tpu.memory_space<vmem>>
    %dma_wait3A_585 = arith.constant 0 : i32
    %dma_wait3A_586 = tpu.memref_slice %arg6[%dma_wait3A, %dma_wait3A_585] : memref<4x128xi32, #tpu.memory_space<vmem>> -> memref<1x128xi32, #tpu.memory_space<vmem>>
    %dma_wait3A_587 = tpu.memref_squeeze %dma_wait3A_586 : memref<1x128xi32, #tpu.memory_space<vmem>> -> memref<128xi32, #tpu.memory_space<vmem>>
    %dma_wait3A_588 = arith.constant 0 : i32
    %dma_wait3A_589 = tpu.memref_slice %arg2[%dma_wait3A_588] : memref<131072xf32, #tpu.memory_space<hbm>> -> memref<131072xf32, #tpu.memory_space<hbm>>
    tpu.wait_indirect_dma semaphore(%arg8 : memref<!tpu.dma_semaphore, #tpu.memory_space<semaphore_mem>>) src(%dma_wait3A_589 : memref<131072xf32, #tpu.memory_space<hbm>>) dst(%dma_wait3A_584 : memref<128xf32, #tpu.memory_space<vmem>>)
    %dma_start3A_590 = arith.constant 1 : i32
    %dma_start3A_591 = arith.constant 128 : i32
    %dma_start3A_592 = tpu.memref_slice %arg7[%dma_start3A_591] : memref<512xf32, #tpu.memory_space<vmem>> -> memref<128xf32, #tpu.memory_space<vmem>>
    %dma_start3A_593 = arith.constant 0 : i32
    %dma_start3A_594 = tpu.memref_slice %arg6[%dma_start3A_590, %dma_start3A_593] : memref<4x128xi32, #tpu.memory_space<vmem>> -> memref<1x128xi32, #tpu.memory_space<vmem>>
    %dma_start3A_595 = tpu.memref_squeeze %dma_start3A_594 : memref<1x128xi32, #tpu.memory_space<vmem>> -> memref<128xi32, #tpu.memory_space<vmem>>
    %dma_start3A_596 = arith.constant 0 : i32
    %dma_start3A_597 = tpu.memref_slice %arg2[%dma_start3A_596] : memref<131072xf32, #tpu.memory_space<hbm>> -> memref<131072xf32, #tpu.memory_space<hbm>>
    tpu.enqueue_indirect_dma source(%dma_start3A_597 : memref<131072xf32, #tpu.memory_space<hbm>>) target(%dma_start3A_592 : memref<128xf32, #tpu.memory_space<vmem>>) offsets(%dma_start3A_595 : memref<128xi32, #tpu.memory_space<vmem>>) semaphore(%arg8 : memref<!tpu.dma_semaphore, #tpu.memory_space<semaphore_mem>>)
    %dma_wait3A_598 = arith.constant 1 : i32
    %dma_wait3A_599 = arith.constant 128 : i32
    %dma_wait3A_600 = tpu.memref_slice %arg7[%dma_wait3A_599] : memref<512xf32, #tpu.memory_space<vmem>> -> memref<128xf32, #tpu.memory_space<vmem>>
    %dma_wait3A_601 = arith.constant 0 : i32
    %dma_wait3A_602 = tpu.memref_slice %arg6[%dma_wait3A_598, %dma_wait3A_601] : memref<4x128xi32, #tpu.memory_space<vmem>> -> memref<1x128xi32, #tpu.memory_space<vmem>>
    %dma_wait3A_603 = tpu.memref_squeeze %dma_wait3A_602 : memref<1x128xi32, #tpu.memory_space<vmem>> -> memref<128xi32, #tpu.memory_space<vmem>>
    %dma_wait3A_604 = arith.constant 0 : i32
    %dma_wait3A_605 = tpu.memref_slice %arg2[%dma_wait3A_604] : memref<131072xf32, #tpu.memory_space<hbm>> -> memref<131072xf32, #tpu.memory_space<hbm>>
    tpu.wait_indirect_dma semaphore(%arg8 : memref<!tpu.dma_semaphore, #tpu.memory_space<semaphore_mem>>) src(%dma_wait3A_605 : memref<131072xf32, #tpu.memory_space<hbm>>) dst(%dma_wait3A_600 : memref<128xf32, #tpu.memory_space<vmem>>)
    %dma_start3A_606 = arith.constant 2 : i32
    %dma_start3A_607 = arith.constant 256 : i32
    %dma_start3A_608 = tpu.memref_slice %arg7[%dma_start3A_607] : memref<512xf32, #tpu.memory_space<vmem>> -> memref<128xf32, #tpu.memory_space<vmem>>
    %dma_start3A_609 = arith.constant 0 : i32
    %dma_start3A_610 = tpu.memref_slice %arg6[%dma_start3A_606, %dma_start3A_609] : memref<4x128xi32, #tpu.memory_space<vmem>> -> memref<1x128xi32, #tpu.memory_space<vmem>>
    %dma_start3A_611 = tpu.memref_squeeze %dma_start3A_610 : memref<1x128xi32, #tpu.memory_space<vmem>> -> memref<128xi32, #tpu.memory_space<vmem>>
    %dma_start3A_612 = arith.constant 0 : i32
    %dma_start3A_613 = tpu.memref_slice %arg2[%dma_start3A_612] : memref<131072xf32, #tpu.memory_space<hbm>> -> memref<131072xf32, #tpu.memory_space<hbm>>
    tpu.enqueue_indirect_dma source(%dma_start3A_613 : memref<131072xf32, #tpu.memory_space<hbm>>) target(%dma_start3A_608 : memref<128xf32, #tpu.memory_space<vmem>>) offsets(%dma_start3A_611 : memref<128xi32, #tpu.memory_space<vmem>>) semaphore(%arg8 : memref<!tpu.dma_semaphore, #tpu.memory_space<semaphore_mem>>)
    %dma_wait3A_614 = arith.constant 2 : i32
    %dma_wait3A_615 = arith.constant 256 : i32
    %dma_wait3A_616 = tpu.memref_slice %arg7[%dma_wait3A_615] : memref<512xf32, #tpu.memory_space<vmem>> -> memref<128xf32, #tpu.memory_space<vmem>>
    %dma_wait3A_617 = arith.constant 0 : i32
    %dma_wait3A_618 = tpu.memref_slice %arg6[%dma_wait3A_614, %dma_wait3A_617] : memref<4x128xi32, #tpu.memory_space<vmem>> -> memref<1x128xi32, #tpu.memory_space<vmem>>
    %dma_wait3A_619 = tpu.memref_squeeze %dma_wait3A_618 : memref<1x128xi32, #tpu.memory_space<vmem>> -> memref<128xi32, #tpu.memory_space<vmem>>
    %dma_wait3A_620 = arith.constant 0 : i32
    %dma_wait3A_621 = tpu.memref_slice %arg2[%dma_wait3A_620] : memref<131072xf32, #tpu.memory_space<hbm>> -> memref<131072xf32, #tpu.memory_space<hbm>>
    tpu.wait_indirect_dma semaphore(%arg8 : memref<!tpu.dma_semaphore, #tpu.memory_space<semaphore_mem>>) src(%dma_wait3A_621 : memref<131072xf32, #tpu.memory_space<hbm>>) dst(%dma_wait3A_616 : memref<128xf32, #tpu.memory_space<vmem>>)
    %dma_start3A_622 = arith.constant 3 : i32
    %dma_start3A_623 = arith.constant 384 : i32
    %dma_start3A_624 = tpu.memref_slice %arg7[%dma_start3A_623] : memref<512xf32, #tpu.memory_space<vmem>> -> memref<128xf32, #tpu.memory_space<vmem>>
    %dma_start3A_625 = arith.constant 0 : i32
    %dma_start3A_626 = tpu.memref_slice %arg6[%dma_start3A_622, %dma_start3A_625] : memref<4x128xi32, #tpu.memory_space<vmem>> -> memref<1x128xi32, #tpu.memory_space<vmem>>
    %dma_start3A_627 = tpu.memref_squeeze %dma_start3A_626 : memref<1x128xi32, #tpu.memory_space<vmem>> -> memref<128xi32, #tpu.memory_space<vmem>>
    %dma_start3A_628 = arith.constant 0 : i32
    %dma_start3A_629 = tpu.memref_slice %arg2[%dma_start3A_628] : memref<131072xf32, #tpu.memory_space<hbm>> -> memref<131072xf32, #tpu.memory_space<hbm>>
    tpu.enqueue_indirect_dma source(%dma_start3A_629 : memref<131072xf32, #tpu.memory_space<hbm>>) target(%dma_start3A_624 : memref<128xf32, #tpu.memory_space<vmem>>) offsets(%dma_start3A_627 : memref<128xi32, #tpu.memory_space<vmem>>) semaphore(%arg8 : memref<!tpu.dma_semaphore, #tpu.memory_space<semaphore_mem>>)
    %dma_wait3A_630 = arith.constant 3 : i32
    %dma_wait3A_631 = arith.constant 384 : i32
    %dma_wait3A_632 = tpu.memref_slice %arg7[%dma_wait3A_631] : memref<512xf32, #tpu.memory_space<vmem>> -> memref<128xf32, #tpu.memory_space<vmem>>
    %dma_wait3A_633 = arith.constant 0 : i32
    %dma_wait3A_634 = tpu.memref_slice %arg6[%dma_wait3A_630, %dma_wait3A_633] : memref<4x128xi32, #tpu.memory_space<vmem>> -> memref<1x128xi32, #tpu.memory_space<vmem>>
    %dma_wait3A_635 = tpu.memref_squeeze %dma_wait3A_634 : memref<1x128xi32, #tpu.memory_space<vmem>> -> memref<128xi32, #tpu.memory_space<vmem>>
    %dma_wait3A_636 = arith.constant 0 : i32
    %dma_wait3A_637 = tpu.memref_slice %arg2[%dma_wait3A_636] : memref<131072xf32, #tpu.memory_space<hbm>> -> memref<131072xf32, #tpu.memory_space<hbm>>
    tpu.wait_indirect_dma semaphore(%arg8 : memref<!tpu.dma_semaphore, #tpu.memory_space<semaphore_mem>>) src(%dma_wait3A_637 : memref<131072xf32, #tpu.memory_space<hbm>>) dst(%dma_wait3A_632 : memref<128xf32, #tpu.memory_space<vmem>>)
    "tpu.region"() ({
      %run_scoped3A = tpu.sem_alloc : memref<!tpu.dma_semaphore, #tpu.memory_space<semaphore_mem>>
      %dma_start3A_638 = tpu.memref_slice %arg4[%mul3A_2] : memref<16384xf32, #tpu.memory_space<hbm>> -> memref<512xf32, #tpu.memory_space<hbm>>
      %dma_start3A_639 = tpu.memref_slice %arg4[%mul3A_2] : memref<16384xf32, #tpu.memory_space<hbm>> -> memref<512xf32, #tpu.memory_space<hbm>>
      tpu.enqueue_dma source(%arg7 : memref<512xf32, #tpu.memory_space<vmem>>) target(%dma_start3A_639 : memref<512xf32, #tpu.memory_space<hbm>>) target_semaphore(%run_scoped3A : memref<!tpu.dma_semaphore, #tpu.memory_space<semaphore_mem>>)
      %dma_wait3A_640 = tpu.memref_slice %arg4[%mul3A_2] : memref<16384xf32, #tpu.memory_space<hbm>> -> memref<512xf32, #tpu.memory_space<hbm>>
      %dma_wait3A_641 = tpu.memref_slice %arg4[%mul3A_2] : memref<16384xf32, #tpu.memory_space<hbm>> -> memref<512xf32, #tpu.memory_space<hbm>>
      tpu.wait_dma2 semaphore(%run_scoped3A : memref<!tpu.dma_semaphore, #tpu.memory_space<semaphore_mem>>) src(%arg7 : memref<512xf32, #tpu.memory_space<vmem>>) dst(%dma_wait3A_641 : memref<512xf32, #tpu.memory_space<hbm>>)
      tpu.yield
    }) : () -> ()
    return
  }
}

module attributes {stable_mosaic.version = 14 : i64} {
  func.func @_tc_body(%arg0: i32, %arg1: memref<2048x512xf32, #tpu.memory_space<vmem>>, %arg2: memref<2048x512xf32, #tpu.memory_space<vmem>>, %arg3: memref<128x1024xf32, #tpu.memory_space<vmem>>, %arg4: memref<16x1024xf32, #tpu.memory_space<vmem>>, %arg5: memref<1x128xf32, #tpu.memory_space<vmem>>, %arg6: memref<1x16xf32, #tpu.memory_space<vmem>>, %arg7: memref<256x30xf32, #tpu.memory_space<vmem>>, %arg8: memref<1x256xf32, #tpu.memory_space<vmem>>, %arg9: memref<8x32xf32, #tpu.memory_space<vmem>>, %arg10: memref<1x8xf32, #tpu.memory_space<vmem>>, %arg11: memref<8x2048xf32, #tpu.memory_space<vmem>>, %arg12: memref<128x1024xbf16, #tpu.memory_space<vmem>>, %arg13: memref<1x128xf32, #tpu.memory_space<vmem>>, %arg14: memref<256x256xbf16, #tpu.memory_space<vmem>>, %arg15: memref<256x8xbf16, #tpu.memory_space<vmem>>) attributes {dimension_semantics = [#tpu.dimension_semantics<arbitrary>], iteration_bounds = array<i64: 8>, scalar_prefetch = 0 : i64, scratch_operands = 4 : i64, tpu.core_type = #tpu.core_type<tc>, window_params = [{transform_indices = @transform_0, window_bounds = array<i64: 2048, 512>}, {transform_indices = @transform_1, window_bounds = array<i64: 2048, 512>}, {pipeline_mode = #tpu.pipeline_mode<synchronous>, transform_indices = @transform_2, window_bounds = array<i64: 128, 1024>}, {pipeline_mode = #tpu.pipeline_mode<synchronous>, transform_indices = @transform_3, window_bounds = array<i64: 16, 1024>}, {pipeline_mode = #tpu.pipeline_mode<synchronous>, transform_indices = @transform_4, window_bounds = array<i64: 1, 128>}, {pipeline_mode = #tpu.pipeline_mode<synchronous>, transform_indices = @transform_5, window_bounds = array<i64: 1, 16>}, {pipeline_mode = #tpu.pipeline_mode<synchronous>, transform_indices = @transform_6, window_bounds = array<i64: 256, 30>}, {pipeline_mode = #tpu.pipeline_mode<synchronous>, transform_indices = @transform_7, window_bounds = array<i64: 1, 256>}, {pipeline_mode = #tpu.pipeline_mode<synchronous>, transform_indices = @transform_8, window_bounds = array<i64: 8, 32>}, {pipeline_mode = #tpu.pipeline_mode<synchronous>, transform_indices = @transform_9, window_bounds = array<i64: 1, 8>}, {transform_indices = @transform_10, window_bounds = array<i64: 8, 2048>}]} {
    %eq3A = arith.constant 0 : i32
    %eq3A_0 = arith.cmpi eq, %arg0, %eq3A : i32
    %convert_element_type3A = arith.extui %eq3A_0 : i1 to i32
    %cond3A = arith.constant 0 : i32
    %cond3A_1 = arith.cmpi ne, %convert_element_type3A, %cond3A : i32
    scf.if %cond3A_1 {
      %get3A_79 = arith.constant 0 : index
      %get3A_80 = arith.constant 0 : index
      %get3A_81 = vector.load %arg4[%get3A_79, %get3A_80] : memref<16x1024xf32, #tpu.memory_space<vmem>>, vector<16x1024xf32>
      %concatenate3A_82 = tpu.concatenate %get3A_81, %get3A_81, %get3A_81, %get3A_81, %get3A_81, %get3A_81, %get3A_81, %get3A_81 in 0 : vector<16x1024xf32>, vector<16x1024xf32>, vector<16x1024xf32>, vector<16x1024xf32>, vector<16x1024xf32>, vector<16x1024xf32>, vector<16x1024xf32>, vector<16x1024xf32> -> vector<128x1024xf32>
      %get3A_83 = arith.constant 0 : index
      %get3A_84 = arith.constant 0 : index
      %get3A_85 = vector.load %arg3[%get3A_83, %get3A_84] : memref<128x1024xf32, #tpu.memory_space<vmem>>, vector<128x1024xf32>
      %add3A_86 = arith.addf %get3A_85, %concatenate3A_82 : vector<128x1024xf32>
      %convert_element_type3A_87 = arith.truncf %add3A_86 : vector<128x1024xf32> to vector<128x1024xbf16>
      %swap3A_88 = arith.constant 0 : index
      %swap3A_89 = arith.constant 0 : index
      %swap3A_90 = vector.load %arg12[%swap3A_88, %swap3A_89] : memref<128x1024xbf16, #tpu.memory_space<vmem>>, vector<128x1024xbf16>
      tpu.vector_store %arg12[%swap3A_88, %swap3A_89], %convert_element_type3A_87 {strides = array<i32>} : memref<128x1024xbf16, #tpu.memory_space<vmem>>, vector<128x1024xbf16>,
      %get3A_91 = arith.constant 0 : index
      %get3A_92 = arith.constant 0 : index
      %get3A_93 = vector.load %arg6[%get3A_91, %get3A_92] : memref<1x16xf32, #tpu.memory_space<vmem>>, vector<1x16xf32>
      %concatenate3A_94 = tpu.concatenate %get3A_93, %get3A_93, %get3A_93, %get3A_93, %get3A_93, %get3A_93, %get3A_93, %get3A_93 in 1 : vector<1x16xf32>, vector<1x16xf32>, vector<1x16xf32>, vector<1x16xf32>, vector<1x16xf32>, vector<1x16xf32>, vector<1x16xf32>, vector<1x16xf32> -> vector<1x128xf32>
      %broadcast_in_dim3A = arith.constant 1.000000e+00 : f32
      %broadcast_in_dim3A_95 = vector.broadcast %broadcast_in_dim3A : f32 to vector<8x1024xf32>
      %dot_general3A_96 = arith.constant dense<0.000000e+00> : vector<8x128xf32>
      %dot_general3A_97 = tpu.matmul %broadcast_in_dim3A_95, %add3A_86, %dot_general3A_96 {dimension_numbers = #tpu.dot_dimension_numbers<[1], [1], [0], [0], [0, 0, 1, 0], [], []>, transpose_lhs_hint = false} : vector<8x1024xf32>, vector<128x1024xf32>, vector<8x128xf32> -> vector<8x128xf32>
      %get3A_98 = arith.constant 0 : index
      %get3A_99 = arith.constant 0 : index
      %get3A_100 = vector.load %arg5[%get3A_98, %get3A_99] : memref<1x128xf32, #tpu.memory_space<vmem>>, vector<1x128xf32>
      %add3A_101 = arith.addf %get3A_100, %concatenate3A_94 : vector<1x128xf32>
      %slice3A_102 = vector.extract_strided_slice %dot_general3A_97 {offsets = [0, 0], sizes = [1, 128], strides = [1, 1]} : vector<8x128xf32> to vector<1x128xf32>
      %mul3A_103 = arith.constant 5.000000e-01 : f32
      %mul3A_104 = vector.broadcast %mul3A_103 : f32 to vector<1x128xf32>
      %mul3A_105 = arith.mulf %mul3A_104, %slice3A_102 : vector<1x128xf32>
      %add3A_106 = arith.addf %add3A_101, %mul3A_105 : vector<1x128xf32>
      %swap3A_107 = arith.constant 0 : index
      %swap3A_108 = arith.constant 0 : index
      %swap3A_109 = vector.load %arg13[%swap3A_107, %swap3A_108] : memref<1x128xf32, #tpu.memory_space<vmem>>, vector<1x128xf32>
      tpu.vector_store %arg13[%swap3A_107, %swap3A_108], %add3A_106 {strides = array<i32>} : memref<1x128xf32, #tpu.memory_space<vmem>>, vector<1x128xf32>,
      %get3A_110 = arith.constant 0 : index
      %get3A_111 = arith.constant 0 : index
      %get3A_112 = vector.load %arg7[%get3A_110, %get3A_111] : memref<256x30xf32, #tpu.memory_space<vmem>>, vector<256x30xf32>
      %transpose3A_113 = tpu.transpose %get3A_112, [1, 0] : vector<256x30xf32> -> vector<30x256xf32>
      %broadcast_in_dim3A_114 = arith.constant 0.000000e+00 : f32
      %broadcast_in_dim3A_115 = vector.broadcast %broadcast_in_dim3A_114 : f32 to vector<1x256xf32>
      %slice3A_116 = vector.extract_strided_slice %transpose3A_113 {offsets = [0, 0], sizes = [15, 256], strides = [1, 1]} : vector<30x256xf32> to vector<15x256xf32>
      %concatenate3A_117 = tpu.concatenate %slice3A_116, %broadcast_in_dim3A_115 in 0 : vector<15x256xf32>, vector<1x256xf32> -> vector<16x256xf32>
      %slice3A_118 = vector.extract_strided_slice %transpose3A_113 {offsets = [15, 0], sizes = [15, 256], strides = [1, 1]} : vector<30x256xf32> to vector<15x256xf32>
      %concatenate3A_119 = tpu.concatenate %slice3A_118, %broadcast_in_dim3A_115 in 0 : vector<15x256xf32>, vector<1x256xf32> -> vector<16x256xf32>
      %iota3A = tpu.iota {dimensions = array<i32: 0>} : vector<128x256xi32>
      %iota3A_120 = tpu.iota {dimensions = array<i32: 1>} : vector<128x256xi32>
      %jit3A_121 = arith.constant 16 : i32
      %div3A = vector.broadcast %jit3A_121 : i32 to vector<128x256xi32>
      %div3A_122 = arith.divsi %iota3A, %div3A : vector<128x256xi32>
      %sign3A = arith.constant 0 : i32
      %sign3A_123 = vector.broadcast %sign3A : i32 to vector<128x256xi32>
      %sign3A_124 = arith.cmpi sgt, %iota3A, %sign3A_123 : vector<128x256xi32>
      %sign3A_125 = arith.extui %sign3A_124 : vector<128x256xi1> to vector<128x256xi32>
      %sign3A_126 = arith.constant 0 : i32
      %sign3A_127 = vector.broadcast %sign3A_126 : i32 to vector<128x256xi32>
      %sign3A_128 = arith.cmpi slt, %iota3A, %sign3A_127 : vector<128x256xi32>
      %sign3A_129 = arith.extui %sign3A_128 : vector<128x256xi1> to vector<128x256xi32>
      %sign3A_130 = arith.subi %sign3A_125, %sign3A_129 : vector<128x256xi32>
      %sign3A_131 = arith.constant 0 : i32
      %sign3A_132 = arith.cmpi sgt, %jit3A_121, %sign3A_131 : i32
      %sign3A_133 = arith.extui %sign3A_132 : i1 to i32
      %sign3A_134 = arith.constant 0 : i32
      %sign3A_135 = arith.cmpi slt, %jit3A_121, %sign3A_134 : i32
      %sign3A_136 = arith.extui %sign3A_135 : i1 to i32
      %sign3A_137 = arith.subi %sign3A_133, %sign3A_136 : i32
      %ne3A = vector.broadcast %sign3A_137 : i32 to vector<128x256xi32>
      %ne3A_138 = arith.cmpi ne, %sign3A_130, %ne3A : vector<128x256xi32>
      %rem3A = vector.broadcast %jit3A_121 : i32 to vector<128x256xi32>
      %rem3A_139 = arith.remsi %iota3A, %rem3A : vector<128x256xi32>
      %ne3A_140 = arith.constant 0 : i32
      %ne3A_141 = vector.broadcast %ne3A_140 : i32 to vector<128x256xi32>
      %ne3A_142 = arith.cmpi ne, %rem3A_139, %ne3A_141 : vector<128x256xi32>
      %and3A = arith.andi %ne3A_138, %ne3A_142 : vector<128x256xi1>
      %sub3A_143 = arith.constant 1 : i32
      %sub3A_144 = vector.broadcast %sub3A_143 : i32 to vector<128x256xi32>
      %sub3A_145 = arith.subi %div3A_122, %sub3A_144 : vector<128x256xi32>
      %select_n3A = arith.select %and3A, %sub3A_145, %div3A_122 : vector<128x256xi1>, vector<128x256xi32>
      %jit3A_146 = arith.constant 32 : i32
      %div3A_147 = vector.broadcast %jit3A_146 : i32 to vector<128x256xi32>
      %div3A_148 = arith.divsi %iota3A_120, %div3A_147 : vector<128x256xi32>
      %sign3A_149 = arith.constant 0 : i32
      %sign3A_150 = vector.broadcast %sign3A_149 : i32 to vector<128x256xi32>
      %sign3A_151 = arith.cmpi sgt, %iota3A_120, %sign3A_150 : vector<128x256xi32>
      %sign3A_152 = arith.extui %sign3A_151 : vector<128x256xi1> to vector<128x256xi32>
      %sign3A_153 = arith.constant 0 : i32
      %sign3A_154 = vector.broadcast %sign3A_153 : i32 to vector<128x256xi32>
      %sign3A_155 = arith.cmpi slt, %iota3A_120, %sign3A_154 : vector<128x256xi32>
      %sign3A_156 = arith.extui %sign3A_155 : vector<128x256xi1> to vector<128x256xi32>
      %sign3A_157 = arith.subi %sign3A_152, %sign3A_156 : vector<128x256xi32>
      %sign3A_158 = arith.constant 0 : i32
      %sign3A_159 = arith.cmpi sgt, %jit3A_146, %sign3A_158 : i32
      %sign3A_160 = arith.extui %sign3A_159 : i1 to i32
      %sign3A_161 = arith.constant 0 : i32
      %sign3A_162 = arith.cmpi slt, %jit3A_146, %sign3A_161 : i32
      %sign3A_163 = arith.extui %sign3A_162 : i1 to i32
      %sign3A_164 = arith.subi %sign3A_160, %sign3A_163 : i32
      %ne3A_165 = vector.broadcast %sign3A_164 : i32 to vector<128x256xi32>
      %ne3A_166 = arith.cmpi ne, %sign3A_157, %ne3A_165 : vector<128x256xi32>
      %rem3A_167 = vector.broadcast %jit3A_146 : i32 to vector<128x256xi32>
      %rem3A_168 = arith.remsi %iota3A_120, %rem3A_167 : vector<128x256xi32>
      %ne3A_169 = arith.constant 0 : i32
      %ne3A_170 = vector.broadcast %ne3A_169 : i32 to vector<128x256xi32>
      %ne3A_171 = arith.cmpi ne, %rem3A_168, %ne3A_170 : vector<128x256xi32>
      %and3A_172 = arith.andi %ne3A_166, %ne3A_171 : vector<128x256xi1>
      %sub3A_173 = arith.constant 1 : i32
      %sub3A_174 = vector.broadcast %sub3A_173 : i32 to vector<128x256xi32>
      %sub3A_175 = arith.subi %div3A_148, %sub3A_174 : vector<128x256xi32>
      %select_n3A_176 = arith.select %and3A_172, %sub3A_175, %div3A_148 : vector<128x256xi1>, vector<128x256xi32>
      %eq3A_177 = arith.cmpi eq, %select_n3A, %select_n3A_176 : vector<128x256xi32>
      %concatenate3A_178 = tpu.concatenate %concatenate3A_117, %concatenate3A_117, %concatenate3A_117, %concatenate3A_117, %concatenate3A_117, %concatenate3A_117, %concatenate3A_117, %concatenate3A_117 in 0 : vector<16x256xf32>, vector<16x256xf32>, vector<16x256xf32>, vector<16x256xf32>, vector<16x256xf32>, vector<16x256xf32>, vector<16x256xf32>, vector<16x256xf32> -> vector<128x256xf32>
      %concatenate3A_179 = tpu.concatenate %concatenate3A_119, %concatenate3A_119, %concatenate3A_119, %concatenate3A_119, %concatenate3A_119, %concatenate3A_119, %concatenate3A_119, %concatenate3A_119 in 0 : vector<16x256xf32>, vector<16x256xf32>, vector<16x256xf32>, vector<16x256xf32>, vector<16x256xf32>, vector<16x256xf32>, vector<16x256xf32>, vector<16x256xf32> -> vector<128x256xf32>
      %jit3A_180 = arith.constant 0.000000e+00 : f32
      %broadcast_in_dim3A_181 = vector.broadcast %jit3A_180 : f32 to vector<128x256xf32>
      %select_n3A_182 = arith.select %eq3A_177, %concatenate3A_178, %broadcast_in_dim3A_181 : vector<128x256xi1>, vector<128x256xf32>
      %jit3A_183 = arith.constant 0.000000e+00 : f32
      %broadcast_in_dim3A_184 = vector.broadcast %jit3A_183 : f32 to vector<128x256xf32>
      %select_n3A_185 = arith.select %eq3A_177, %concatenate3A_179, %broadcast_in_dim3A_184 : vector<128x256xi1>, vector<128x256xf32>
      %concatenate3A_186 = tpu.concatenate %select_n3A_182, %select_n3A_185 in 0 : vector<128x256xf32>, vector<128x256xf32> -> vector<256x256xf32>
      %convert_element_type3A_187 = arith.truncf %concatenate3A_186 : vector<256x256xf32> to vector<256x256xbf16>
      %swap3A_188 = arith.constant 0 : index
      %swap3A_189 = arith.constant 0 : index
      %swap3A_190 = vector.load %arg14[%swap3A_188, %swap3A_189] : memref<256x256xbf16, #tpu.memory_space<vmem>>, vector<256x256xbf16>
      tpu.vector_store %arg14[%swap3A_188, %swap3A_189], %convert_element_type3A_187 {strides = array<i32>} : memref<256x256xbf16, #tpu.memory_space<vmem>>, vector<256x256xbf16>,
      %get3A_191 = arith.constant 0 : index
      %get3A_192 = arith.constant 0 : index
      %get3A_193 = vector.load %arg9[%get3A_191, %get3A_192] : memref<8x32xf32, #tpu.memory_space<vmem>>, vector<8x32xf32>
      %transpose3A_194 = tpu.transpose %get3A_193, [1, 0] : vector<8x32xf32> -> vector<32x8xf32>
      %iota3A_195 = tpu.iota {dimensions = array<i32: 0>} : vector<256x8xi32>
      %iota3A_196 = tpu.iota {dimensions = array<i32: 1>} : vector<256x8xi32>
      %jit3A_197 = arith.constant 32 : i32
      %div3A_198 = vector.broadcast %jit3A_197 : i32 to vector<256x8xi32>
      %div3A_199 = arith.divsi %iota3A_195, %div3A_198 : vector<256x8xi32>
      %sign3A_200 = arith.constant 0 : i32
      %sign3A_201 = vector.broadcast %sign3A_200 : i32 to vector<256x8xi32>
      %sign3A_202 = arith.cmpi sgt, %iota3A_195, %sign3A_201 : vector<256x8xi32>
      %sign3A_203 = arith.extui %sign3A_202 : vector<256x8xi1> to vector<256x8xi32>
      %sign3A_204 = arith.constant 0 : i32
      %sign3A_205 = vector.broadcast %sign3A_204 : i32 to vector<256x8xi32>
      %sign3A_206 = arith.cmpi slt, %iota3A_195, %sign3A_205 : vector<256x8xi32>
      %sign3A_207 = arith.extui %sign3A_206 : vector<256x8xi1> to vector<256x8xi32>
      %sign3A_208 = arith.subi %sign3A_203, %sign3A_207 : vector<256x8xi32>
      %sign3A_209 = arith.constant 0 : i32
      %sign3A_210 = arith.cmpi sgt, %jit3A_197, %sign3A_209 : i32
      %sign3A_211 = arith.extui %sign3A_210 : i1 to i32
      %sign3A_212 = arith.constant 0 : i32
      %sign3A_213 = arith.cmpi slt, %jit3A_197, %sign3A_212 : i32
      %sign3A_214 = arith.extui %sign3A_213 : i1 to i32
      %sign3A_215 = arith.subi %sign3A_211, %sign3A_214 : i32
      %ne3A_216 = vector.broadcast %sign3A_215 : i32 to vector<256x8xi32>
      %ne3A_217 = arith.cmpi ne, %sign3A_208, %ne3A_216 : vector<256x8xi32>
      %rem3A_218 = vector.broadcast %jit3A_197 : i32 to vector<256x8xi32>
      %rem3A_219 = arith.remsi %iota3A_195, %rem3A_218 : vector<256x8xi32>
      %ne3A_220 = arith.constant 0 : i32
      %ne3A_221 = vector.broadcast %ne3A_220 : i32 to vector<256x8xi32>
      %ne3A_222 = arith.cmpi ne, %rem3A_219, %ne3A_221 : vector<256x8xi32>
      %and3A_223 = arith.andi %ne3A_217, %ne3A_222 : vector<256x8xi1>
      %sub3A_224 = arith.constant 1 : i32
      %sub3A_225 = vector.broadcast %sub3A_224 : i32 to vector<256x8xi32>
      %sub3A_226 = arith.subi %div3A_199, %sub3A_225 : vector<256x8xi32>
      %select_n3A_227 = arith.select %and3A_223, %sub3A_226, %div3A_199 : vector<256x8xi1>, vector<256x8xi32>
      %eq3A_228 = arith.cmpi eq, %select_n3A_227, %iota3A_196 : vector<256x8xi32>
      %concatenate3A_229 = tpu.concatenate %transpose3A_194, %transpose3A_194, %transpose3A_194, %transpose3A_194, %transpose3A_194, %transpose3A_194, %transpose3A_194, %transpose3A_194 in 0 : vector<32x8xf32>, vector<32x8xf32>, vector<32x8xf32>, vector<32x8xf32>, vector<32x8xf32>, vector<32x8xf32>, vector<32x8xf32>, vector<32x8xf32> -> vector<256x8xf32>
      %jit3A_230 = arith.constant 0.000000e+00 : f32
      %broadcast_in_dim3A_231 = vector.broadcast %jit3A_230 : f32 to vector<256x8xf32>
      %select_n3A_232 = arith.select %eq3A_228, %concatenate3A_229, %broadcast_in_dim3A_231 : vector<256x8xi1>, vector<256x8xf32>
      %convert_element_type3A_233 = arith.truncf %select_n3A_232 : vector<256x8xf32> to vector<256x8xbf16>
      %swap3A_234 = arith.constant 0 : index
      %swap3A_235 = arith.constant 0 : index
      %swap3A_236 = vector.load %arg15[%swap3A_234, %swap3A_235] : memref<256x8xbf16, #tpu.memory_space<vmem>>, vector<256x8xbf16>
      tpu.vector_store %arg15[%swap3A_234, %swap3A_235], %convert_element_type3A_233 {strides = array<i32>} : memref<256x8xbf16, #tpu.memory_space<vmem>>, vector<256x8xbf16>,
    } else {
    }
    %get3A = arith.constant 0 : index
    %get3A_2 = arith.constant 0 : index
    %get3A_3 = vector.load %arg1[%get3A, %get3A_2] : memref<2048x512xf32, #tpu.memory_space<vmem>>, vector<2048x512xf32>
    %sub3A = arith.constant 5.000000e-01 : f32
    %sub3A_4 = vector.broadcast %sub3A : f32 to vector<2048x512xf32>
    %sub3A_5 = arith.subf %get3A_3, %sub3A_4 : vector<2048x512xf32>
    %convert_element_type3A_6 = arith.truncf %sub3A_5 : vector<2048x512xf32> to vector<2048x512xbf16>
    %get3A_7 = arith.constant 0 : index
    %get3A_8 = arith.constant 0 : index
    %get3A_9 = vector.load %arg2[%get3A_7, %get3A_8] : memref<2048x512xf32, #tpu.memory_space<vmem>>, vector<2048x512xf32>
    %sub3A_10 = arith.constant 5.000000e-01 : f32
    %sub3A_11 = vector.broadcast %sub3A_10 : f32 to vector<2048x512xf32>
    %sub3A_12 = arith.subf %get3A_9, %sub3A_11 : vector<2048x512xf32>
    %convert_element_type3A_13 = arith.truncf %sub3A_12 : vector<2048x512xf32> to vector<2048x512xbf16>
    %get3A_14 = arith.constant 0 : index
    %get3A_15 = arith.constant 0 : index
    %get3A_16 = vector.load %arg12[%get3A_14, %get3A_15] : memref<128x1024xbf16, #tpu.memory_space<vmem>>, vector<128x512xbf16>
    %dot_general3A = arith.constant dense<0.000000e+00> : vector<2048x128xf32>
    %dot_general3A_17 = tpu.matmul %convert_element_type3A_6, %get3A_16, %dot_general3A {dimension_numbers = #tpu.dot_dimension_numbers<[1], [1], [0], [0], [0, 0, 1, 0], [], []>, transpose_lhs_hint = false} : vector<2048x512xbf16>, vector<128x512xbf16>, vector<2048x128xf32> -> vector<2048x128xf32>
    %get3A_18 = arith.constant 0 : index
    %get3A_19 = arith.constant 512 : index
    %get3A_20 = vector.load %arg12[%get3A_18, %get3A_19] : memref<128x1024xbf16, #tpu.memory_space<vmem>>, vector<128x512xbf16>
    %dot_general3A_21 = arith.constant dense<0.000000e+00> : vector<2048x128xf32>
    %dot_general3A_22 = tpu.matmul %convert_element_type3A_13, %get3A_20, %dot_general3A_21 {dimension_numbers = #tpu.dot_dimension_numbers<[1], [1], [0], [0], [0, 0, 1, 0], [], []>, transpose_lhs_hint = false} : vector<2048x512xbf16>, vector<128x512xbf16>, vector<2048x128xf32> -> vector<2048x128xf32>
    %add3A = arith.addf %dot_general3A_17, %dot_general3A_22 : vector<2048x128xf32>
    %get3A_23 = arith.constant 0 : index
    %get3A_24 = arith.constant 0 : index
    %get3A_25 = vector.load %arg13[%get3A_23, %get3A_24] : memref<1x128xf32, #tpu.memory_space<vmem>>, vector<1x128xf32>
    %add3A_26 = vector.broadcast %get3A_25 : vector<1x128xf32> to vector<2048x128xf32>
    %add3A_27 = arith.addf %add3A, %add3A_26 : vector<2048x128xf32>
    %mul3A = arith.mulf %add3A_27, %add3A_27 : vector<2048x128xf32>
    %mul3A_28 = arith.constant 0.9921875 : f32
    %mul3A_29 = vector.broadcast %mul3A_28 : f32 to vector<2048x128xf32>
    %mul3A_30 = arith.mulf %mul3A, %mul3A_29 : vector<2048x128xf32>
    %jit3A = arith.constant 0.000000e+00 : f32
    %jit3A_31 = arith.constant 1.000000e+00 : f32
    %max3A = vector.broadcast %jit3A : f32 to vector<2048x128xf32>
    %max3A_32 = arith.maximumf %max3A, %mul3A_30 : vector<2048x128xf32>
    %min3A = vector.broadcast %jit3A_31 : f32 to vector<2048x128xf32>
    %min3A_33 = arith.minimumf %min3A, %max3A_32 : vector<2048x128xf32>
    %jit3A_34 = arith.constant 0.000000e+00 : f32
    %jit3A_35 = arith.constant 1.000000e+00 : f32
    %max3A_36 = vector.broadcast %jit3A_34 : f32 to vector<2048x128xf32>
    %max3A_37 = arith.maximumf %max3A_36, %add3A_27 : vector<2048x128xf32>
    %min3A_38 = vector.broadcast %jit3A_35 : f32 to vector<2048x128xf32>
    %min3A_39 = arith.minimumf %min3A_38, %max3A_37 : vector<2048x128xf32>
    %concatenate3A = tpu.concatenate %min3A_33, %min3A_39 in 1 : vector<2048x128xf32>, vector<2048x128xf32> -> vector<2048x256xf32>
    %convert_element_type3A_40 = arith.truncf %concatenate3A : vector<2048x256xf32> to vector<2048x256xbf16>
    %get3A_41 = arith.constant 0 : index
    %get3A_42 = arith.constant 0 : index
    %get3A_43 = vector.load %arg14[%get3A_41, %get3A_42] : memref<256x256xbf16, #tpu.memory_space<vmem>>, vector<256x256xbf16>
    %dot_general3A_44 = arith.constant dense<0.000000e+00> : vector<2048x256xf32>
    %dot_general3A_45 = tpu.matmul %convert_element_type3A_40, %get3A_43, %dot_general3A_44 {dimension_numbers = #tpu.dot_dimension_numbers<[1], [0], [0], [1], [0, 0, 1, 1], [], []>, transpose_lhs_hint = false} : vector<2048x256xbf16>, vector<256x256xbf16>, vector<2048x256xf32> -> vector<2048x256xf32>
    %get3A_46 = arith.constant 0 : index
    %get3A_47 = arith.constant 0 : index
    %get3A_48 = vector.load %arg8[%get3A_46, %get3A_47] : memref<1x256xf32, #tpu.memory_space<vmem>>, vector<1x256xf32>
    %add3A_49 = vector.broadcast %get3A_48 : vector<1x256xf32> to vector<2048x256xf32>
    %add3A_50 = arith.addf %dot_general3A_45, %add3A_49 : vector<2048x256xf32>
    %jit3A_51 = arith.constant 0.000000e+00 : f32
    %jit3A_52 = arith.constant 1.000000e+00 : f32
    %max3A_53 = vector.broadcast %jit3A_51 : f32 to vector<2048x256xf32>
    %max3A_54 = arith.maximumf %max3A_53, %add3A_50 : vector<2048x256xf32>
    %min3A_55 = vector.broadcast %jit3A_52 : f32 to vector<2048x256xf32>
    %min3A_56 = arith.minimumf %min3A_55, %max3A_54 : vector<2048x256xf32>
    %convert_element_type3A_57 = arith.truncf %min3A_56 : vector<2048x256xf32> to vector<2048x256xbf16>
    %get3A_58 = arith.constant 0 : index
    %get3A_59 = arith.constant 0 : index
    %get3A_60 = vector.load %arg15[%get3A_58, %get3A_59] : memref<256x8xbf16, #tpu.memory_space<vmem>>, vector<256x8xbf16>
    %dot_general3A_61 = arith.constant dense<0.000000e+00> : vector<2048x8xf32>
    %dot_general3A_62 = tpu.matmul %convert_element_type3A_57, %get3A_60, %dot_general3A_61 {dimension_numbers = #tpu.dot_dimension_numbers<[1], [0], [0], [1], [0, 0, 1, 1], [], []>, transpose_lhs_hint = false} : vector<2048x256xbf16>, vector<256x8xbf16>, vector<2048x8xf32> -> vector<2048x8xf32>
    %slice3A = vector.extract_strided_slice %add3A_27 {offsets = [0, 15], sizes = [2048, 1], strides = [1, 1]} : vector<2048x128xf32> to vector<2048x1xf32>
    %slice3A_63 = vector.extract_strided_slice %add3A_27 {offsets = [0, 31], sizes = [2048, 1], strides = [1, 1]} : vector<2048x128xf32> to vector<2048x1xf32>
    %slice3A_64 = vector.extract_strided_slice %add3A_27 {offsets = [0, 47], sizes = [2048, 1], strides = [1, 1]} : vector<2048x128xf32> to vector<2048x1xf32>
    %slice3A_65 = vector.extract_strided_slice %add3A_27 {offsets = [0, 63], sizes = [2048, 1], strides = [1, 1]} : vector<2048x128xf32> to vector<2048x1xf32>
    %slice3A_66 = vector.extract_strided_slice %add3A_27 {offsets = [0, 79], sizes = [2048, 1], strides = [1, 1]} : vector<2048x128xf32> to vector<2048x1xf32>
    %slice3A_67 = vector.extract_strided_slice %add3A_27 {offsets = [0, 95], sizes = [2048, 1], strides = [1, 1]} : vector<2048x128xf32> to vector<2048x1xf32>
    %slice3A_68 = vector.extract_strided_slice %add3A_27 {offsets = [0, 111], sizes = [2048, 1], strides = [1, 1]} : vector<2048x128xf32> to vector<2048x1xf32>
    %slice3A_69 = vector.extract_strided_slice %add3A_27 {offsets = [0, 127], sizes = [2048, 1], strides = [1, 1]} : vector<2048x128xf32> to vector<2048x1xf32>
    %concatenate3A_70 = tpu.concatenate %slice3A, %slice3A_63, %slice3A_64, %slice3A_65, %slice3A_66, %slice3A_67, %slice3A_68, %slice3A_69 in 1 : vector<2048x1xf32>, vector<2048x1xf32>, vector<2048x1xf32>, vector<2048x1xf32>, vector<2048x1xf32>, vector<2048x1xf32>, vector<2048x1xf32>, vector<2048x1xf32> -> vector<2048x8xf32>
    %add3A_71 = arith.addf %dot_general3A_62, %concatenate3A_70 : vector<2048x8xf32>
    %get3A_72 = arith.constant 0 : index
    %get3A_73 = arith.constant 0 : index
    %get3A_74 = vector.load %arg10[%get3A_72, %get3A_73] : memref<1x8xf32, #tpu.memory_space<vmem>>, vector<1x8xf32>
    %add3A_75 = vector.broadcast %get3A_74 : vector<1x8xf32> to vector<2048x8xf32>
    %add3A_76 = arith.addf %add3A_71, %add3A_75 : vector<2048x8xf32>
    %transpose3A = tpu.transpose %add3A_76, [1, 0] : vector<2048x8xf32> -> vector<8x2048xf32>
    %swap3A = arith.constant 0 : index
    %swap3A_77 = arith.constant 0 : index
    %swap3A_78 = vector.load %arg11[%swap3A, %swap3A_77] : memref<8x2048xf32, #tpu.memory_space<vmem>>, vector<8x2048xf32>
    tpu.vector_store %arg11[%swap3A, %swap3A_77], %transpose3A {strides = array<i32>} : memref<8x2048xf32, #tpu.memory_space<vmem>>, vector<8x2048xf32>,
    return
  }
  func.func @transform_0(%arg0: i32) -> (i32, i32) {
    %c0_i32 = arith.constant 0 : i32
    %c0_i32_0 = arith.constant 0 : i32
    return %arg0, %c0_i32 : i32, i32
  }
  func.func @transform_1(%arg0: i32) -> (i32, i32) {
    %c1_i32 = arith.constant 1 : i32
    %c0_i32 = arith.constant 0 : i32
    return %arg0, %c1_i32 : i32, i32
  }
  func.func @transform_2(%arg0: i32) -> (i32, i32) {
    %c0_i32 = arith.constant 0 : i32
    %c0_i32_0 = arith.constant 0 : i32
    %c0_i32_1 = arith.constant 0 : i32
    return %c0_i32, %c0_i32_0 : i32, i32
  }
  func.func @transform_3(%arg0: i32) -> (i32, i32) {
    %c0_i32 = arith.constant 0 : i32
    %c0_i32_0 = arith.constant 0 : i32
    %c0_i32_1 = arith.constant 0 : i32
    return %c0_i32, %c0_i32_0 : i32, i32
  }
  func.func @transform_4(%arg0: i32) -> (i32, i32) {
    %c0_i32 = arith.constant 0 : i32
    %c0_i32_0 = arith.constant 0 : i32
    %c0_i32_1 = arith.constant 0 : i32
    return %c0_i32, %c0_i32_0 : i32, i32
  }
  func.func @transform_5(%arg0: i32) -> (i32, i32) {
    %c0_i32 = arith.constant 0 : i32
    %c0_i32_0 = arith.constant 0 : i32
    %c0_i32_1 = arith.constant 0 : i32
    return %c0_i32, %c0_i32_0 : i32, i32
  }
  func.func @transform_6(%arg0: i32) -> (i32, i32) {
    %c0_i32 = arith.constant 0 : i32
    %c0_i32_0 = arith.constant 0 : i32
    %c0_i32_1 = arith.constant 0 : i32
    return %c0_i32, %c0_i32_0 : i32, i32
  }
  func.func @transform_7(%arg0: i32) -> (i32, i32) {
    %c0_i32 = arith.constant 0 : i32
    %c0_i32_0 = arith.constant 0 : i32
    %c0_i32_1 = arith.constant 0 : i32
    return %c0_i32, %c0_i32_0 : i32, i32
  }
  func.func @transform_8(%arg0: i32) -> (i32, i32) {
    %c0_i32 = arith.constant 0 : i32
    %c0_i32_0 = arith.constant 0 : i32
    %c0_i32_1 = arith.constant 0 : i32
    return %c0_i32, %c0_i32_0 : i32, i32
  }
  func.func @transform_9(%arg0: i32) -> (i32, i32) {
    %c0_i32 = arith.constant 0 : i32
    %c0_i32_0 = arith.constant 0 : i32
    %c0_i32_1 = arith.constant 0 : i32
    return %c0_i32, %c0_i32_0 : i32, i32
  }
  func.func @transform_10(%arg0: i32) -> (i32, i32) {
    %c0_i32 = arith.constant 0 : i32
    %c0_i32_0 = arith.constant 0 : i32
    return %c0_i32, %arg0 : i32, i32
  }
}

</mosaic_0001>

<sc_bundles>
// kernel: kernel.4.cloned.1.call-start
scs
__scs_entry_jumppad:
0x0: {  	(pc) =	sbr.rel $0x88, $3  }
0x1: {  	(tag) =	ssettag $0x0;
	lr =	simm.s32 $0x1  }
0x2: {  	[smem:$0x3F97] =	sst lr;
	_ =	strace $0xD0000000  }
0x3: {  	_ = 	snop  }
0x4: {  	_ = 	snop  }
0x5: {  	_ = 	snop  }
0x6: {  	_ = 	snop  }
0x7: {  	_ = 	snop  }
__scs_overlays_trampoline_lowered:
0x8: {  	[smem:$0x3FA6] =	sst s0  }
0x9: {  	[smem:$0x3FA7] =	sst s1  }
0xa: {  	[smem:$0x3FA8] =	sst s2  }
0xb: {  	[smem:$0x3FA9] =	sst s3  }
0xc: {  	[smem:$0x3FAA] =	sst s4  }
0xd: {  	[smem:$0x3FAB] =	sst s5  }
0xe: {  	[smem:$0x3FAC] =	sst s6  }
0xf: {  	[smem:$0x3FAD] =	sst s7  }
0x10: {  	[smem:$0x3FAE] =	sst s8  }
0x11: {  	[smem:$0x3FAF] =	sst s9;
	s0 =	simm.s32 @!p0 $0x0  }
0x12: {  	s1 =	sld [smem:$0x3F95];
	s0 =	simm.s32 @p0 $0x1  }
0x13: {  	[smem:$0x3FB0] =	sst s0;
	s0 =	simm.s32 @!p1 $0x0  }
0x14: {  	s2 =	sld [smem:$0x3F94];
	s0 =	simm.s32 @p1 $0x1  }
0x15: {  	[smem:$0x3FB1] =	sst s0;
	s0 =	simm.s32 @!p2 $0x0  }
0x16: {  	s3 =	sld [smem:$0x3FDB];
	s0 =	simm.s32 @p2 $0x1  }
0x17: {  	s4 =	simm.s32 $0x1BF5;
	[smem:$0x3FB3] =	sst s0  }
0x18: {  	s0 =	sld [smem:$0x3F96];
	_ =	swait.ge [sflag:s4], $0x0  }
0x19: {  	s7 =	sld [smem:$0x3F97]  }
0x1a: {  	s8 =	sadd.s32 $0xFFFFE003, lr  }
0x1b: {  	s9 =	sadd.s32 $0xFFFFFEF7, lr;
	s5 =	simm.s32 $0xFFFFFFFF;
	p2 =	slt.u32 s8, $0xFFFFF086  }
0x1c: {  	p1 =	slt.u32 s9, $0xF7A;
	s5 =	simm.s32 @!p2 $0x0  }
0x1d: {  	s5 =	simm.s32 @p1 $0x1;
	p0 =	seq.s32 s7, s2  }
0x1e: {  	s7 =	smul.u32 @!p0 $0xF7A, s2;
	p2 =	seq.s32 @!p0 s5, $0x0  }
0x1f: {  	s9 =	smul.u32 $0xF7A, s1;
	s8 =	simm.s32 @!p0 $0x1BF5;
	p2 =	por !p2, p0  }
0x20: {  	[sflag:s8] =	ssyncset.s32 @!p0 $0xFFFFF086;
	s6 =	sadd.s32 @!p0 s3, s7;
	s7 =	simm.s32 @!p0 $0x108  }
0x21: {  	s3 =	sadd.s32 s3, s9;
	s6 =	sadd.s32 @!p0 $0x88, s6;
	s7 =	simm.s32 @p2 $0x1082  }
0x22: {  	[simem:s7], [sflag:s8] =	dma.local @!p0 [hbm:s6], $0xF7A  }
0x23: {  	s9 =	sor.u32 $0xD0000000, s2;
	s6 =	simm.s32 $0x108;
	_ =	swait.ge @!p0 [sflag:s8], $0x0  }
0x24: {  	s3 =	sadd.s32 $0x88, s3;
	s6 =	simm.s32 @!p1 $0x1082;
	[sflag:s4] =	ssyncset.s32 $0xFFFFF086  }
0x25: {  	[simem:s6], [sflag:s4] =	dma.local [hbm:s3], $0xF7A  }
0x26: {  	[smem:$0x3F97] =	sst s1;
	(tag) =	ssettag s2;
	_ =	strace s9  }
0x27: {  	s1 =	sld [smem:$0x3FA7]  }
0x28: {  	s2 =	sld [smem:$0x3FA8]  }
0x29: {  	s4 =	sld [smem:$0x3FAA]  }
0x2a: {  	p0 =	seq.s32 s5, $0x0;
	s5 =	sld [smem:$0x3FAB]  }
0x2b: {  	s6 =	sld [smem:$0x3FAC]  }
0x2c: {  	s7 =	sld [smem:$0x3FAD]  }
0x2d: {  	s3 =	simm.s32 $0x108;
	s8 =	sld [smem:$0x3FAE]  }
0x2e: {  	s3 =	simm.s32 @!p0 $0x1082;
	s9 =	sld [smem:$0x3FAF]  }
0x2f: {  	lr =	sadd.s32 s0, s3;
	s0 =	sld [smem:$0x3FA6]  }
0x30: {  	s3 =	sld [smem:$0x3FA9]  }
0x31: {  	[smem:$0x3FB2] =	sst s10  }
0x32: {  	s10 =	sld [smem:$0x3FB0];
	_ =	sdelay $0x3  }
0x33: {  	p0 =	seq.s32 s10, $0x1;
	s10 =	sld [smem:$0x3FB2];
	_ =	sdelay $0x3  }
0x34: {  	[smem:$0x3FB2] =	sst s10  }
0x35: {  	s10 =	sld [smem:$0x3FB1];
	_ =	sdelay $0x3  }
0x36: {  	p1 =	seq.s32 s10, $0x1;
	s10 =	sld [smem:$0x3FB2];
	_ =	sdelay $0x3  }
0x37: {  	[smem:$0x3FB2] =	sst s10  }
0x38: {  	s10 =	sld [smem:$0x3FB3]  }
0x39: {  	_ = 	snop;
	(pc) =	sbr.ind lr, $3  }
0x3a: {  	_ = 	snop  }
0x3b: {  	_ = 	snop  }
0x3c: {  	p2 =	seq.s32 s10, $0x1;
	s10 =	sld [smem:$0x3FB2]  }
0x3d: {  	_ =	shalt  }
0x3e: {  	_ =	shalt  }
0x3f: {  	_ =	shalt  }
0x40: {  	_ =	shalt  }
0x41: {  	_ =	shalt  }
0x42: {  	_ =	shalt  }
0x43: {  	_ =	shalt  }
0x44: {  	_ =	shalt  }
0x45: {  	_ =	shalt  }
0x46: {  	_ =	shalt  }
0x47: {  	_ =	shalt  }
0x48: {  	_ =	shalt  }
0x49: {  	_ =	shalt  }
0x4a: {  	_ =	shalt  }
0x4b: {  	_ =	shalt  }
0x4c: {  	_ =	shalt  }
0x4d: {  	_ =	shalt  }
0x4e: {  	_ =	shalt  }
0x4f: {  	_ =	shalt  }
0x50: {  	_ =	shalt  }
0x51: {  	_ =	shalt  }
0x52: {  	_ =	shalt  }
0x53: {  	_ =	shalt  }
0x54: {  	_ =	shalt  }
0x55: {  	_ =	shalt  }
0x56: {  	_ =	shalt  }
0x57: {  	_ =	shalt  }
0x58: {  	_ =	shalt  }
0x59: {  	_ =	shalt  }
0x5a: {  	_ =	shalt  }
0x5b: {  	_ =	shalt  }
0x5c: {  	_ =	shalt  }
0x5d: {  	_ =	shalt  }
0x5e: {  	_ =	shalt  }
0x5f: {  	_ =	shalt  }
0x60: {  	_ =	shalt  }
0x61: {  	_ =	shalt  }
0x62: {  	_ =	shalt  }
0x63: {  	_ =	shalt  }
0x64: {  	_ =	shalt  }
0x65: {  	_ =	shalt  }
0x66: {  	_ =	shalt  }
0x67: {  	_ =	shalt  }
0x68: {  	_ =	shalt  }
0x69: {  	_ =	shalt  }
0x6a: {  	_ =	shalt  }
0x6b: {  	_ =	shalt  }
0x6c: {  	_ =	shalt  }
0x6d: {  	_ =	shalt  }
0x6e: {  	_ =	shalt  }
0x6f: {  	_ =	shalt  }
0x70: {  	_ =	shalt  }
0x71: {  	_ =	shalt  }
0x72: {  	_ =	shalt  }
0x73: {  	_ =	shalt  }
0x74: {  	_ =	shalt  }
0x75: {  	_ =	shalt  }
0x76: {  	_ =	shalt  }
0x77: {  	_ =	shalt  }
0x78: {  	_ =	shalt  }
0x79: {  	_ =	shalt  }
0x7a: {  	_ =	shalt  }
0x7b: {  	_ =	shalt  }
0x7c: {  	_ =	shalt  }
0x7d: {  	_ =	shalt  }
0x7e: {  	_ =	shalt  }
0x7f: {  	_ =	shalt  }
0x80: {  	_ =	shalt  }
0x81: {  	_ =	shalt  }
0x82: {  	_ =	shalt  }
0x83: {  	_ =	shalt  }
0x84: {  	_ =	shalt  }
0x85: {  	_ =	shalt  }
0x86: {  	_ =	shalt  }
0x87: {  	_ =	shalt  }
.Lfunc_end0:
.L_simem_size_0:
called_computation_lowered:
.L_overlay_start_0:
0x88: {  	s2 =	sld [smem:$0x3FD9]  }
0x89: {  	s3 =	sld [smem:$0x3FFE];
	_ =	sdelay $0x1  }
0x8a: {  	s1 =	srdreg.scid  }
0x8b: {  	s0 =	sand.u32 $0x1, s1  }
0x8c: {  	s17 =	sshll.u32 s0, $0xA;
	s2 =	sadd.s32 s3, s2  }
0x8d: {  	s2 =	sadd.s32 s2, s17  }
0x8e: {  	[smem:$0x3FBE] =	sst s2  }
0x8f: {  	_ = 	snop  }
0x90: {  	s2 =	sld [smem:$0x3FC8]  }
0x91: {  	s18 =	sld [smem:$0x3FD0];
	(tm) =	ssettm $0x1  }
0x92: {  	s4 =	sld [smem:$0x3FFB];
	_ =	sdelay $0x3  }
0x93: {  	_ =	strace s4  }
0x94: {  	s4 =	sld [smem:$0x3FFC];
	_ =	sdelay $0x3  }
0x95: {  	_ =	strace s4  }
0x96: {  	s4 =	sld [smem:$0x3FFD];
	_ =	sdelay $0x3  }
0x97: {  	_ =	strace s4  }
0x98: {  	_ =	strace $0x8FFFFFFF  }
0x99: {  	s19 =	sld [smem:$0x3FDB];
	_ =	sdelay $0x1  }
0x9a: {  	s5 =	simm.s32 $_scs_section_size  }
0x9b: {  	s6 =	simm.s32 $_size__tile_overlayer_lowered;
	s7 =	simm.s32 $_tile_overlayer_lowered  }
0x9c: {  	s22 =	simm.s32 $0x1BFF;
	s21 =	sshll.u32 s7, $0x1;
	s4 =	sadd.s32 s5, s19  }
0x9d: {  	s8 =	simm.s32 $0x0;
	s20 =	sshll.u32 s6, $0x1;
	s6 =	sadd.s32 s21, s4  }
0x9e: {  	[timem:s8], [sflag:s22] =	dma.local [hbm:s6], s20  }
0x9f: {  	_ =	swait.ge [sflag:s22], s20  }
0xa0: {  	s5 =	ssub.s32 $0x0, s20;
	[sflag:s22] =	ssyncset.done $0x0  }
0xa1: {  	[sflag:s22] =	ssyncadd.s32 s5;
	_ =	sdelay $0x1  }
0xa2: {  	s23 =	simm.s32 $0x1B8B  }
0xa3: {  	_ =	swait.ge [sflag:s23], $0x1  }
0xa4: {  	[sflag:s23] =	ssyncset.done $0x0  }
0xa5: {  	s25 =	simm.s32 $0x1B8E;
	s24 =	sld [smem:$0x3FFE];
	[sflag:s23] =	ssyncadd.s32 $0xFFFFFFFF  }
0xa6: {  	s26 =	simm.s32 $execute0_lowered;
	[smem:$0x3FD2] =	sst s25  }
0xa7: {  	s6 =	sshll.u32 s26, $0x1;
	_ =	strace $0x80000046;
	[dreg:$0x1] =	wrdreg $0xFFFFFFFF  }
0xa8: {  	s28 =	simm.s32 $_size_execute0_lowered;
	s4 =	sadd.s32 s4, s6;
	[dreg:$0x0] =	wrdreg $0x0  }
0xa9: {  	s6 =	sshll.u32 s28, $0x1;
	[dreg:$0x2] =	wrdreg s4  }
0xaa: {  	[dreg:$0x3] =	wrdreg s6  }
0xab: {  	[dreg:$0x4] =	wrdreg $0xC0  }
0xac: {  	_ =	task [dreg:s8], $0x5FFFF  }
0xad: {  	[dreg:$0x1] =	wrdreg $0xFFFFFFFF  }
0xae: {  	[dreg:$0x0] =	wrdreg $0x60  }
0xaf: {  	[dreg:$0x2] =	wrdreg s24  }
0xb0: {  	[dreg:$0x3] =	wrdreg s2  }
0xb1: {  	[dreg:$0x4] =	wrdreg s18  }
0xb2: {  	[dreg:$0x5] =	wrdreg $0x9  }
0xb3: {  	_ =	task.clear_ibuf [dreg:s8], $0x6FFFF;
	_ =	strace $0x90000046  }
0xb4: {  	s29 =	simm.s32 $0x9;
	_ =	strace $0x80000048  }
0xb5: {  	_ =	swait.ge [sflag:s29], $0x1  }
0xb6: {  	[sflag:s29] =	ssyncadd.s32 $0xFFFFFFFF  }
0xb7: {  	_ =	strace $0x90000048  }
0xb8: {  	_ =	sfence  }
0xb9: {  	s30 =	sld [smem:$0x0];
	_ =	sdelay $0x2  }
0xba: {  	s31 =	sshll.u32 s1, $0xD;
	s1 =	sshrl.u32 s1, $0x2  }
0xbb: {  	s3 =	sand.u32 $0x4000, s31;
	s1 =	sadd.s32 s1, s30  }
0xbc: {  	s0 =	sor.u32 s3, s0;
	s1 =	sshll.u32 s1, $0x11  }
0xbd: {  	s0 =	sor.u32 s1, s0  }
0xbe: {  	s0 =	sadd.s32 $0x8F2B, s0  }
0xbf: {  	[sflag:s0] =	ssyncadd.remote.s32 $0x1  }
0xc0: {  	_ =	sfence.sel $0xFFFF  }
0xc1: {  	[dreg:$0x0] =	wrdreg $0xFFFFFFFF;
	(pc) =	sbr.abs _section_cstart, $3  }
0xc2: {  	[dreg:$0x1] =	wrdreg $0xFFFFFFFF  }
0xc3: {  	_ =	task.clear_ibuf [dreg:s8], $0x2FFFF;
	_ =	strace $0x9FFFFFFF  }
0xc4: {  	(tm) =	ssettm $0x7FFFFFFF  }
0xc5: {  	_ =	shalt  }
tec
execute0_lowered:
.L_overlay_start_1:
0x0: {  	(tag) =	ssettag $0x1  }
0x1: {  	s3 =	rddreg [dreg:$0x0]  }
0x2: {  	s5 =	rddreg [dreg:$0x1]  }
0x3: {  	s4 =	rddreg [dreg:$0x2]  }
0x4: {  	s0 =	rddreg [dreg:$0x3]  }
0x5: {  	s2 =	simm.s32 $0x0;
	s6 =	srdreg.scid;
	s1 =	stileid.u32  }
0x6: {  	p0 =	por $0x0, $0x0;
	[smem:$0x7FF] =	sst s2;
	s6 =	sand.u32 $0x1, s6  }
0x7: {  	s8 =	sshll.u32 s1, $0xA;
	s7 =	ssub.s32 $0x2, s6;
	s6 =	sshll.u32 s6, $0x9  }
0x8: {  	s3 =	sadd.s32 $0xE00, s3;
	s9 =	sshrl.u32 s7, $0x1;
	s6 =	sor.u32 s6, s8  }
0x9: {  	_ =	strace $0x80000047;
	s7 =	ssub.s32 s7, s9;
	s8 =	sshrl.u32 s6, $0x3  }
0xa: {  	s9 =	sor.u32 $0x10, s6;
	s23 =	sor.u32 $0x20, s6;
	s10 =	sor.u32 $0x30, s6  }
0xb: {  	s11 =	sor.u32 $0x40, s6;
	s12 =	sor.u32 $0x50, s6;
	s13 =	sor.u32 $0x60, s6  }
0xc: {  	s14 =	sor.u32 $0x70, s6;
	s15 =	sor.u32 $0x80, s6;
	s17 =	sor.u32 $0x90, s6  }
0xd: {  	s18 =	sor.u32 $0xA0, s6;
	s19 =	sor.u32 $0xB0, s6;
	s20 =	sor.u32 $0xC0, s6  }
0xe: {  	v15 =	vlaneseq.u32;
	s21 =	sor.u32 $0xD0, s6;
	s22 =	sor.u32 $0xE0, s6;
	s24 =	sor.u32 $0xF0, s6  }
0xf: {  	s25 =	sor.u32 $0x100, s6;
	s31 =	sor.u32 $0x130, s6;
	s26 =	sor.u32 $0x1A0, s6;
	v9 =	vor.u32 s6, v15;
	v2 =	vor.u32 s9, v15  }
0x10: {  	s28 =	sor.u32 $0x1B0, s6;
	s29 =	sor.u32 $0x1C0, s6;
	s30 =	sor.u32 $0x1D0, s6;
	v12 =	vor.u32 s23, v15;
	v7 =	vor.u32 s10, v15;
	v10 =	vor.u32 s11, v15  }
0x11: {  	s16 =	sadd.s32 s5, s8;
	s23 =	sor.u32 $0x110, s6;
	v23 =	vor.u32 s12, v15;
	s11 =	sor.u32 $0x120, s6;
	v5 =	vor.u32 s13, v15;
	v8 =	vor.u32 s14, v15  }
0x12: {  	s12 =	sor.u32 $0x140, s6;
	v3 =	vor.u32 s15, v15;
	s13 =	sor.u32 $0x150, s6;
	s14 =	sor.u32 $0x160, s6;
	v1 =	vor.u32 s17, v15;
	v4 =	vor.u32 s18, v15  }
0x13: {  	s15 =	sor.u32 $0x170, s6;
	v0 =	vor.u32 s19, v15;
	s18 =	sor.u32 $0x180, s6;
	v30 =	vor.u32 s20, v15;
	v19 =	vor.u32 s31, v15;
	s31 =	smax.u32 s7, $0x1  }
0x14: {  	s19 =	sor.u32 $0x190, s6;
	v16 =	vor.u32 s21, v15;
	v29 =	vor.u32 s22, v15;
	v25 =	vor.u32 s24, v15;
	s4 =	sadd.s32 s4, s8;
	p1 =	sne.s32 s31, $0x1  }
.Ltmp0:
0x15: {  	v28 =	vor.u32 s25, v15;
	s24 =	sor.u32 $0x1E0, s6;
	s25 =	sor.u32 $0x1F0, s6;
	v14 =	vor.u32 s26, v15;
	v11 =	vor.u32 s28, v15;
	(pc) =	sbr.rel @!p1 .LBB2_3-.Ltmp0, $4  }
0x16: {  	s5 =	simm.s32 $0x2;
	s6 =	simm.s32 $0x80;
	s9 =	simm.s32 $0x200;
	v18 =	vor.u32 s29, v15;
	v17 =	vor.u32 s30, v15;
	v26 =	vor.u32 s23, v15  }
0x17: {  	s7 =	simm.s32 $0x400;
	s8 =	simm.s32 $0x1;
	s10 =	simm.s32 $0x300;
	v6 =	vor.u32 s11, v15;
	v27 =	vor.u32 s12, v15;
	v13 =	vor.u32 s13, v15  }
0x18: {  	v20 =	vor.u32 s14, v15;
	v24 =	vor.u32 s15, v15;
	v21 =	vor.u32 s18, v15;
	s12 =	simm.s32 $0x280;
	s13 =	simm.s32 $0x480;
	s14 =	simm.s32 $0x500  }
0x19: {  	v22 =	vor.u32 s19, v15;
	s11 =	simm.s32 $0x380;
	v31 =	vor.u32 s24, v15;
	v15 =	vor.u32 s25, v15;
	s15 =	simm.s32 $0x580;
	s17 =	sadd.s32 $0xFFFFFFFF, s31  }
0x1a: {  	[tilespmem:s2], [sflag:$0x2] =	stream.linear.gather [hbm4b:s16+s2], $0x200, $0x38;
	[tilespmem:$0x600] =	vst v63  }
0x1b: {  	_ =	swait.ge [sflag:s5], $0x200  }
0x1c: {  	[sflag:s5] =	ssyncset.done $0x0  }
0x1d: {  	[sflag:s5] =	ssyncadd.s32 $0xFFFFFE00  }
0x1e: {  	v32 =	vld [tilespmem:$0xC0]  }
0x1f: {  	v33 =	vld [tilespmem:$0x50]  }
0x20: {  	v34 =	vld [tilespmem:$0xE0]  }
0x21: {  	v35 =	vld [tilespmem:$0x1E0]  }
0x22: {  	v36 =	vld [tilespmem:$0x100]  }
0x23: {  	v37 =	vld [tilespmem:$0xF0]  }
0x24: {  	v38 =	vld [tilespmem:$0x110]  }
0x25: {  	v53 =	vld [tilespmem:$0x140];
	v32 =	vshll.u32 v32, $0xE  }
0x26: {  	v39 =	vld [tilespmem:$0xD0];
	v33 =	vshll.u32 v33, $0xE;
	v32 =	vor.u32 v30, v32  }
0x27: {  	v59 =	vld [tilespmem:$0x130];
	v35 =	vshll.u32 v35, $0xE;
	v33 =	vor.u32 v23, v33;
	[tilespmem:$0x2C0] =	vst v32  }
0x28: {  	v43 =	vld [tilespmem:$0x190];
	v56 =	vshll.u32 v37, $0xE;
	v35 =	vor.u32 v31, v35;
	[tilespmem:$0x250] =	vst v33  }
0x29: {  	v38 =	vshll.u32 v38, $0xE;
	v58 =	vor.u32 v25, v56;
	[tilespmem:$0x3E0] =	vst v35  }
0x2a: {  	v63 =	vld [tilespmem:$0x180];
	v52 =	vshll.u32 v34, $0xE;
	v34 =	vshll.u32 v53, $0xE;
	v60 =	vor.u32 v26, v38;
	[tilespmem:$0x2F0] =	vst v58  }
0x2b: {  	v49 =	vld [tilespmem:$0x40];
	v42 =	vshll.u32 v39, $0xE;
	v62 =	vor.u32 v27, v34;
	[tilespmem:$0x310] =	vst v60  }
0x2c: {  	v55 =	vshll.u32 v36, $0xE;
	v36 =	vshll.u32 v59, $0xE;
	v44 =	vor.u32 v16, v42;
	[tilespmem:$0x340] =	vst v62  }
0x2d: {  	v54 =	vld [tilespmem:$0x20];
	v39 =	vshll.u32 v43, $0xE;
	v36 =	vor.u32 v19, v36;
	[tilespmem:$0x2D0] =	vst v44  }
0x2e: {  	v61 =	vld [tilespmem:$0x160];
	v51 =	vor.u32 v22, v39;
	[tilespmem:$0x330] =	vst v36  }
0x2f: {  	v46 =	vld [tilespmem:$0x1C0];
	v34 =	vshll.u32 v63, $0xE;
	v32 =	vor.u32 v29, v52;
	[tilespmem:$0x390] =	vst v51  }
0x30: {  	v50 =	vld [tilespmem:$0x1A0];
	v38 =	vshll.u32 v49, $0xE;
	v34 =	vor.u32 v21, v34;
	[tilespmem:$0x2E0] =	vst v32  }
0x31: {  	v57 =	vld [tilespmem:$0x170];
	v59 =	vor.u32 v10, v38;
	[tilespmem:$0x380] =	vst v34  }
0x32: {  	v47 =	vld [tilespmem:$0x150];
	v33 =	vshll.u32 v54, $0xE;
	v32 =	vor.u32 v28, v55;
	[tilespmem:$0x240] =	vst v59  }
0x33: {  	v48 =	vld [tilespmem:$0x1D0];
	v35 =	vshll.u32 v61, $0xE;
	v33 =	vor.u32 v12, v33;
	[tilespmem:$0x300] =	vst v32  }
0x34: {  	v53 =	vld [tilespmem:$0x1F0];
	v52 =	vshll.u32 v46, $0xE;
	v35 =	vor.u32 v20, v35;
	[tilespmem:$0x220] =	vst v33  }
0x35: {  	v56 =	vld [tilespmem:$0x10];
	v58 =	vshll.u32 v50, $0xE;
	v34 =	vor.u32 v18, v52;
	[tilespmem:$0x360] =	vst v35  }
0x36: {  	v45 =	vshll.u32 v57, $0xE;
	v54 =	vld [tilespmem:$0x30];
	v61 =	vor.u32 v14, v58;
	[tilespmem:$0x3C0] =	vst v34  }
0x37: {  	v60 =	vld [tilespmem:$0x60];
	v33 =	vor.u32 v24, v45;
	v32 =	vshll.u32 v47, $0xE;
	[tilespmem:$0x3A0] =	vst v61  }
0x38: {  	v62 =	vld [tilespmem:$0x80];
	[tilespmem:$0x370] =	vst v33;
	v32 =	vor.u32 v13, v32;
	v33 =	vshll.u32 v48, $0xE  }
0x39: {  	v50 =	vld [tilespmem:$0xB0];
	v63 =	vshll.u32 v53, $0xE;
	[tilespmem:$0x350] =	vst v32;
	v57 =	vor.u32 v17, v33  }
0x3a: {  	v51 =	vld [tilespmem:$0x1B0];
	v44 =	vor.u32 v15, v63;
	v46 =	vshll.u32 v56, $0xE;
	[tilespmem:$0x3D0] =	vst v57  }
0x3b: {  	v55 =	vld [tilespmem:$0x70];
	v42 =	vshll.u32 v54, $0xE;
	[tilespmem:$0x3F0] =	vst v44;
	v32 =	vor.u32 v2, v46  }
0x3c: {  	v43 =	vld [tilespmem:$0xA0];
	v49 =	vshll.u32 v60, $0xE;
	v37 =	vor.u32 v7, v42;
	[tilespmem:$0x210] =	vst v32  }
0x3d: {  	v45 =	vld [tilespmem:$0x0];
	v33 =	vshll.u32 v62, $0xE;
	v52 =	vor.u32 v5, v49;
	[tilespmem:$0x230] =	vst v37  }
0x3e: {  	v48 =	vld [tilespmem:$0x90];
	v59 =	vshll.u32 v50, $0xE;
	v54 =	vor.u32 v3, v33;
	[tilespmem:$0x260] =	vst v52  }
0x3f: {  	v53 =	vld [tilespmem:$0x120];
	v60 =	vshll.u32 v51, $0xE;
	v61 =	vor.u32 v0, v59;
	[tilespmem:$0x280] =	vst v54  }
0x40: {  	v35 =	vshll.u32 v55, $0xE;
	v34 =	vor.u32 v11, v60;
	[tilespmem:$0x2B0] =	vst v61  }
0x41: {  	v55 =	vshll.u32 v43, $0xE;
	v47 =	vor.u32 v8, v35;
	[tilespmem:$0x3B0] =	vst v34  }
0x42: {  	v36 =	vshll.u32 v45, $0xE;
	v56 =	vor.u32 v4, v55;
	[tilespmem:$0x270] =	vst v47  }
0x43: {  	v57 =	vor.u32 v9, v36;
	v35 =	vshll.u32 v48, $0xE;
	[tilespmem:$0x2A0] =	vst v56  }
0x44: {  	v62 =	vshll.u32 v53, $0xE;
	[tilespmem:$0x200] =	vst v57;
	v58 =	vor.u32 v1, v35  }
0x45: {  	v63 =	vor.u32 v6, v62;
	[tilespmem:$0x290] =	vst v58  }
0x46: {  	p1 =	sne.s32 s17, $0x1;
	[tilespmem:$0x320] =	vst v63  }
0x47: {  	[tilespmem:s7], [sflag:$0x1] =	stream.indirect.gather [hbm4b:s3+s6], $0x1, s9, s6, $0xb8;
	[tilespmem:$0x600] =	vst v63  }
.Ltmp1:
0x48: {  	_ =	swait.ge [sflag:s8], $0x80;
	(pc) =	sbr.rel @!p1 .LBB2_3-.Ltmp1, $4  }
0x49: {  	[sflag:s8] =	ssyncset.done $0x0  }
0x4a: {  	[sflag:s8] =	ssyncadd.s32 $0xFFFFFF80  }
0x4b: {  	[tilespmem:s13], [sflag:$0x1] =	stream.indirect.gather [hbm4b:s3+s6], $0x1, s12, s6, $0xb8;
	[tilespmem:$0x600] =	vst v63  }
0x4c: {  	s17 =	sadd.s32 $0xFFFFFFFF, s17;
	p0 =	por $0x1, $0x1;
	_ =	swait.ge [sflag:s8], $0x80  }
.LBB2_2:
0x4d: {  	p1 =	sne.s32 s17, $0x1;
	s17 =	sadd.s32 $0xFFFFFFFF, s17;
	[sflag:s8] =	ssyncset.done $0x0  }
0x4e: {  	[sflag:s8] =	ssyncadd.s32 $0xFFFFFF80  }
0x4f: {  	[tilespmem:s14], [sflag:$0x1] =	stream.indirect.gather [hbm4b:s3+s6], $0x1, s10, s6, $0xb8;
	[tilespmem:$0x600] =	vst v63  }
0x50: {  	_ =	swait.ge [sflag:s8], $0x80  }
0x51: {  	[sflag:s8] =	ssyncset.done $0x0  }
0x52: {  	[sflag:s8] =	ssyncadd.s32 $0xFFFFFF80  }
0x53: {  	[tilespmem:s15], [sflag:$0x1] =	stream.indirect.gather [hbm4b:s3+s6], $0x1, s11, s6, $0xb8;
	[tilespmem:$0x600] =	vst v63  }
0x54: {  	_ =	swait.ge [sflag:s8], $0x80  }
0x55: {  	[sflag:s8] =	ssyncset.done $0x0  }
0x56: {  	[sflag:s8] =	ssyncadd.s32 $0xFFFFFF80  }
0x57: {  	[hbm4b:s4+s2] =	stream.linear.scatter [tilespmem:s7], [sflag:$0x2], $0x200, $0x38;
	[tilespmem:$0x600] =	vst v63  }
0x58: {  	_ =	swait.ge [sflag:s5], $0x200  }
0x59: {  	[sflag:s5] =	ssyncset.done $0x0  }
0x5a: {  	[sflag:s5] =	ssyncadd.s32 $0xFFFFFE00  }
0x5b: {  	[tilespmem:s2], [sflag:$0x2] =	stream.linear.gather [hbm4b:s16+s2], $0x200, $0x38;
	[tilespmem:$0x600] =	vst v63  }
0x5c: {  	_ =	swait.ge [sflag:s5], $0x200  }
0x5d: {  	[sflag:s5] =	ssyncset.done $0x0  }
0x5e: {  	[sflag:s5] =	ssyncadd.s32 $0xFFFFFE00  }
0x5f: {  	v32 =	vld [tilespmem:$0xD0]  }
0x60: {  	v33 =	vld [tilespmem:$0xC0]  }
0x61: {  	v34 =	vld [tilespmem:$0x50]  }
0x62: {  	v35 =	vld [tilespmem:$0xE0]  }
0x63: {  	v36 =	vld [tilespmem:$0xF0]  }
0x64: {  	v37 =	vld [tilespmem:$0x1E0]  }
0x65: {  	v33 =	vshll.u32 v33, $0xE;
	v38 =	vld [tilespmem:$0x100]  }
0x66: {  	v32 =	vshll.u32 v32, $0xE;
	v34 =	vshll.u32 v34, $0xE;
	v33 =	vor.u32 v30, v33;
	v39 =	vld [tilespmem:$0x110]  }
0x67: {  	v32 =	vor.u32 v16, v32;
	v34 =	vor.u32 v23, v34;
	[tilespmem:$0x2C0] =	vst v33;
	v33 =	vshll.u32 v35, $0xE;
	v35 =	vld [tilespmem:$0x120]  }
0x68: {  	[tilespmem:$0x250] =	vst v34;
	v33 =	vor.u32 v29, v33;
	v34 =	vshll.u32 v36, $0xE;
	v36 =	vld [tilespmem:$0x140]  }
0x69: {  	v40 =	vld [tilespmem:$0x20];
	[tilespmem:$0x2E0] =	vst v33;
	v33 =	vor.u32 v25, v34;
	v34 =	vshll.u32 v37, $0xE  }
0x6a: {  	v37 =	vshll.u32 v38, $0xE;
	v38 =	vld [tilespmem:$0x130];
	v34 =	vor.u32 v31, v34  }
0x6b: {  	v37 =	vor.u32 v28, v37;
	v39 =	vshll.u32 v39, $0xE;
	v41 =	vld [tilespmem:$0x170];
	[tilespmem:$0x3E0] =	vst v34  }
0x6c: {  	[tilespmem:$0x300] =	vst v37;
	v34 =	vor.u32 v26, v39;
	v35 =	vshll.u32 v35, $0xE;
	v37 =	vld [tilespmem:$0x190]  }
0x6d: {  	[tilespmem:$0x2F0] =	vst v33;
	v33 =	vor.u32 v6, v35;
	v35 =	vshll.u32 v36, $0xE;
	v36 =	vld [tilespmem:$0x160]  }
0x6e: {  	v39 =	vshll.u32 v40, $0xE;
	[tilespmem:$0x310] =	vst v34;
	v34 =	vor.u32 v27, v35;
	v35 =	vld [tilespmem:$0x180]  }
0x6f: {  	v39 =	vor.u32 v12, v39;
	v38 =	vshll.u32 v38, $0xE;
	[tilespmem:$0x340] =	vst v34;
	v34 =	vld [tilespmem:$0x1A0]  }
0x70: {  	[tilespmem:$0x220] =	vst v39;
	v38 =	vor.u32 v19, v38;
	v39 =	vshll.u32 v41, $0xE;
	v40 =	vld [tilespmem:$0x1C0]  }
0x71: {  	[tilespmem:$0x2D0] =	vst v32;
	v32 =	vld [tilespmem:$0x150];
	v39 =	vor.u32 v24, v39;
	v37 =	vshll.u32 v37, $0xE  }
0x72: {  	v36 =	vshll.u32 v36, $0xE;
	[tilespmem:$0x370] =	vst v39;
	v37 =	vor.u32 v22, v37;
	v39 =	vld [tilespmem:$0x1D0]  }
0x73: {  	v41 =	vld [tilespmem:$0x40];
	[tilespmem:$0x330] =	vst v38;
	v36 =	vor.u32 v20, v36;
	v35 =	vshll.u32 v35, $0xE  }
0x74: {  	[tilespmem:$0x360] =	vst v36;
	v35 =	vor.u32 v21, v35;
	v34 =	vshll.u32 v34, $0xE;
	v36 =	vld [tilespmem:$0x1B0]  }
0x75: {  	[tilespmem:$0x380] =	vst v35;
	v34 =	vor.u32 v14, v34;
	v35 =	vshll.u32 v40, $0xE;
	v38 =	vld [tilespmem:$0x1F0]  }
0x76: {  	v40 =	vld [tilespmem:$0x30];
	v32 =	vshll.u32 v32, $0xE;
	[tilespmem:$0x390] =	vst v37;
	v35 =	vor.u32 v18, v35  }
0x77: {  	v37 =	vld [tilespmem:$0x70];
	v32 =	vor.u32 v13, v32;
	[tilespmem:$0x3C0] =	vst v35;
	v35 =	vshll.u32 v39, $0xE  }
0x78: {  	v39 =	vld [tilespmem:$0x10];
	v41 =	vshll.u32 v41, $0xE;
	[tilespmem:$0x350] =	vst v32;
	v32 =	vor.u32 v17, v35  }
0x79: {  	v35 =	vor.u32 v10, v41;
	v41 =	vld [tilespmem:$0x60];
	v36 =	vshll.u32 v36, $0xE;
	[tilespmem:$0x3D0] =	vst v32  }
0x7a: {  	[tilespmem:$0x240] =	vst v35;
	v32 =	vld [tilespmem:$0x80];
	v35 =	vor.u32 v11, v36;
	v36 =	vshll.u32 v38, $0xE  }
0x7b: {  	v38 =	vshll.u32 v40, $0xE;
	v40 =	vld [tilespmem:$0xA0];
	[tilespmem:$0x3A0] =	vst v34;
	v34 =	vor.u32 v15, v36  }
0x7c: {  	v36 =	vld [tilespmem:$0x0];
	v38 =	vor.u32 v7, v38;
	v37 =	vshll.u32 v37, $0xE;
	[tilespmem:$0x3F0] =	vst v34  }
0x7d: {  	v34 =	vshll.u32 v39, $0xE;
	[tilespmem:$0x230] =	vst v38;
	v37 =	vor.u32 v8, v37;
	v38 =	vld [tilespmem:$0x90]  }
0x7e: {  	v34 =	vor.u32 v2, v34;
	v39 =	vshll.u32 v41, $0xE;
	[tilespmem:$0x270] =	vst v37;
	v37 =	vld [tilespmem:$0xB0]  }
0x7f: {  	[tilespmem:$0x210] =	vst v34;
	v34 =	vor.u32 v5, v39;
	v32 =	vshll.u32 v32, $0xE  }
0x80: {  	[tilespmem:$0x260] =	vst v34;
	v32 =	vor.u32 v3, v32;
	v34 =	vshll.u32 v40, $0xE  }
0x81: {  	v36 =	vshll.u32 v36, $0xE;
	[tilespmem:$0x280] =	vst v32;
	v32 =	vor.u32 v4, v34  }
0x82: {  	v34 =	vor.u32 v9, v36;
	v36 =	vshll.u32 v38, $0xE;
	[tilespmem:$0x2A0] =	vst v32  }
0x83: {  	[tilespmem:$0x200] =	vst v34;
	v32 =	vor.u32 v1, v36;
	v34 =	vshll.u32 v37, $0xE  }
0x84: {  	[tilespmem:$0x290] =	vst v32;
	v32 =	vor.u32 v0, v34  }
0x85: {  	[tilespmem:$0x2B0] =	vst v32  }
0x86: {  	[tilespmem:$0x3B0] =	vst v35  }
0x87: {  	[tilespmem:$0x320] =	vst v33  }
0x88: {  	[tilespmem:s7], [sflag:$0x1] =	stream.indirect.gather [hbm4b:s3+s6], $0x1, s9, s6, $0xb8;
	[tilespmem:$0x600] =	vst v63  }
.Ltmp2:
0x89: {  	_ =	swait.ge [sflag:s8], $0x80;
	(pc) =	sbr.rel @p1 .LBB2_2-.Ltmp2, $4  }
0x8a: {  	[sflag:s8] =	ssyncset.done $0x0  }
0x8b: {  	[sflag:s8] =	ssyncadd.s32 $0xFFFFFF80  }
0x8c: {  	[tilespmem:s13], [sflag:$0x1] =	stream.indirect.gather [hbm4b:s3+s6], $0x1, s12, s6, $0xb8;
	[tilespmem:$0x600] =	vst v63  }
0x8d: {  	_ =	swait.ge [sflag:s8], $0x80  }
.LBB2_3:
0x8e: {  	[sflag:s8] =	ssyncset.done @p0 $0x0  }
0x8f: {  	[sflag:s8] =	ssyncadd.s32 @p0 $0xFFFFFF80  }
0x90: {  	[tilespmem:s14], [sflag:$0x1] =	stream.indirect.gather @p0 [hbm4b:s3+s6], $0x1, s10, s6, $0xb8;
	[tilespmem:$0x600] =	vst v63  }
0x91: {  	_ =	swait.ge @p0 [sflag:s8], $0x80  }
0x92: {  	[sflag:s8] =	ssyncset.done @p0 $0x0  }
0x93: {  	[sflag:s8] =	ssyncadd.s32 @p0 $0xFFFFFF80  }
0x94: {  	[tilespmem:s15], [sflag:$0x1] =	stream.indirect.gather @p0 [hbm4b:s3+s6], $0x1, s11, s6, $0xb8;
	[tilespmem:$0x600] =	vst v63  }
0x95: {  	_ =	swait.ge @p0 [sflag:s8], $0x80  }
0x96: {  	[sflag:s8] =	ssyncset.done @p0 $0x0  }
0x97: {  	[sflag:s8] =	ssyncadd.s32 @p0 $0xFFFFFF80  }
0x98: {  	[hbm4b:s4+s2] =	stream.linear.scatter @p0 [tilespmem:s7], [sflag:$0x2], $0x200, $0x38;
	[tilespmem:$0x600] =	vst v63  }
0x99: {  	_ =	swait.ge @p0 [sflag:s5], $0x200  }
0x9a: {  	[sflag:s5] =	ssyncset.done @p0 $0x0  }
0x9b: {  	[sflag:s5] =	ssyncadd.s32 @p0 $0xFFFFFE00  }
0x9c: {  	[tilespmem:s2], [sflag:$0x2] =	stream.linear.gather [hbm4b:s16+s2], $0x200, $0x38;
	[tilespmem:$0x600] =	vst v63  }
0x9d: {  	_ =	swait.ge [sflag:s5], $0x200  }
0x9e: {  	[sflag:s5] =	ssyncset.done $0x0  }
0x9f: {  	[sflag:s5] =	ssyncadd.s32 $0xFFFFFE00  }
0xa0: {  	v32 =	vld [tilespmem:$0xC0]  }
0xa1: {  	v33 =	vld [tilespmem:$0x50]  }
0xa2: {  	v34 =	vld [tilespmem:$0xE0]  }
0xa3: {  	v37 =	vld [tilespmem:$0xF0]  }
0xa4: {  	v59 =	vld [tilespmem:$0x110]  }
0xa5: {  	v61 =	vld [tilespmem:$0x140];
	v32 =	vshll.u32 v32, $0xE  }
0xa6: {  	v39 =	vld [tilespmem:$0xD0];
	v33 =	vshll.u32 v33, $0xE;
	v30 =	vor.u32 v30, v32  }
0xa7: {  	v43 =	vld [tilespmem:$0x130];
	v60 =	vshll.u32 v34, $0xE;
	v23 =	vor.u32 v23, v33;
	[tilespmem:$0x2C0] =	vst v30  }
0xa8: {  	v47 =	vld [tilespmem:$0x160];
	v41 =	vshll.u32 v37, $0xE;
	v62 =	vor.u32 v29, v60;
	[tilespmem:$0x250] =	vst v23  }
0xa9: {  	v35 =	vld [tilespmem:$0x1E0];
	v44 =	vshll.u32 v59, $0xE;
	v25 =	vor.u32 v25, v41;
	[tilespmem:$0x2E0] =	vst v62  }
0xaa: {  	v36 =	vld [tilespmem:$0x100];
	v46 =	vshll.u32 v61, $0xE;
	v45 =	vor.u32 v26, v44;
	[tilespmem:$0x2F0] =	vst v25  }
0xab: {  	v63 =	vld [tilespmem:$0x20];
	v50 =	vshll.u32 v39, $0xE;
	v48 =	vor.u32 v27, v46;
	[tilespmem:$0x310] =	vst v45  }
0xac: {  	v49 =	vld [tilespmem:$0x180];
	v54 =	vshll.u32 v43, $0xE;
	v16 =	vor.u32 v16, v50;
	[tilespmem:$0x340] =	vst v48  }
0xad: {  	v58 =	vld [tilespmem:$0x40];
	v56 =	vshll.u32 v47, $0xE;
	v19 =	vor.u32 v19, v54;
	[tilespmem:$0x2D0] =	vst v16  }
0xae: {  	v42 =	vld [tilespmem:$0x170];
	v38 =	vshll.u32 v35, $0xE;
	v59 =	vor.u32 v20, v56;
	[tilespmem:$0x330] =	vst v19  }
0xaf: {  	v51 =	vld [tilespmem:$0x190];
	v40 =	vshll.u32 v36, $0xE;
	v30 =	vor.u32 v31, v38;
	[tilespmem:$0x360] =	vst v59  }
0xb0: {  	v53 =	vld [tilespmem:$0x1C0];
	v29 =	vshll.u32 v63, $0xE;
	v23 =	vor.u32 v28, v40;
	[tilespmem:$0x3E0] =	vst v30  }
0xb1: {  	v55 =	vld [tilespmem:$0x150];
	v60 =	vshll.u32 v49, $0xE;
	v12 =	vor.u32 v12, v29;
	[tilespmem:$0x300] =	vst v23  }
0xb2: {  	v57 =	vld [tilespmem:$0x1D0];
	v33 =	vshll.u32 v58, $0xE;
	v63 =	vor.u32 v21, v60;
	[tilespmem:$0x220] =	vst v12  }
0xb3: {  	v52 =	vshll.u32 v42, $0xE;
	v61 =	vld [tilespmem:$0x1A0];
	v10 =	vor.u32 v10, v33;
	[tilespmem:$0x380] =	vst v63  }
0xb4: {  	v35 =	vld [tilespmem:$0x60];
	v62 =	vshll.u32 v51, $0xE;
	v12 =	vor.u32 v24, v52;
	[tilespmem:$0x240] =	vst v10  }
0xb5: {  	v37 =	vld [tilespmem:$0x80];
	v28 =	vshll.u32 v53, $0xE;
	v27 =	vor.u32 v22, v62;
	[tilespmem:$0x370] =	vst v12  }
0xb6: {  	v42 =	vld [tilespmem:$0x0];
	v16 =	vshll.u32 v55, $0xE;
	v18 =	vor.u32 v18, v28;
	[tilespmem:$0x390] =	vst v27  }
0xb7: {  	v32 =	vld [tilespmem:$0x10];
	v13 =	vor.u32 v13, v16;
	[tilespmem:$0x3C0] =	vst v18;
	v12 =	vshll.u32 v57, $0xE  }
0xb8: {  	v46 =	vld [tilespmem:$0x90];
	[tilespmem:$0x350] =	vst v13;
	v12 =	vor.u32 v17, v12;
	v34 =	vshll.u32 v61, $0xE  }
0xb9: {  	v49 =	vld [tilespmem:$0x1B0];
	v47 =	vshll.u32 v35, $0xE;
	[tilespmem:$0x3D0] =	vst v12;
	v36 =	vor.u32 v14, v34  }
0xba: {  	v29 =	vld [tilespmem:$0x1F0];
	v51 =	vshll.u32 v37, $0xE;
	v50 =	vor.u32 v5, v47;
	[tilespmem:$0x3A0] =	vst v36  }
0xbb: {  	v31 =	vld [tilespmem:$0x70];
	v55 =	vshll.u32 v42, $0xE;
	v53 =	vor.u32 v3, v51;
	[tilespmem:$0x260] =	vst v50  }
0xbc: {  	v40 =	vld [tilespmem:$0xA0];
	v44 =	vshll.u32 v32, $0xE;
	v57 =	vor.u32 v9, v55;
	[tilespmem:$0x280] =	vst v53  }
0xbd: {  	v48 =	vld [tilespmem:$0xB0];
	v58 =	vshll.u32 v46, $0xE;
	v2 =	vor.u32 v2, v44;
	[tilespmem:$0x200] =	vst v57  }
0xbe: {  	v30 =	vld [tilespmem:$0x30];
	v60 =	vshll.u32 v49, $0xE;
	v1 =	vor.u32 v1, v58;
	[tilespmem:$0x210] =	vst v2  }
0xbf: {  	v52 =	vld [tilespmem:$0x120];
	v38 =	vshll.u32 v29, $0xE;
	v62 =	vor.u32 v11, v60;
	[tilespmem:$0x290] =	vst v1  }
0xc0: {  	v43 =	vshll.u32 v31, $0xE;
	v41 =	vor.u32 v15, v38;
	[tilespmem:$0x3B0] =	vst v62  }
0xc1: {  	v54 =	vshll.u32 v40, $0xE;
	v45 =	vor.u32 v8, v43;
	[tilespmem:$0x3F0] =	vst v41  }
0xc2: {  	v59 =	vshll.u32 v48, $0xE;
	v56 =	vor.u32 v4, v54;
	[tilespmem:$0x270] =	vst v45  }
0xc3: {  	v39 =	vshll.u32 v30, $0xE;
	v0 =	vor.u32 v0, v59;
	[tilespmem:$0x2A0] =	vst v56  }
0xc4: {  	v61 =	vshll.u32 v52, $0xE;
	v7 =	vor.u32 v7, v39;
	[tilespmem:$0x2B0] =	vst v0  }
0xc5: {  	v63 =	vor.u32 v6, v61;
	[tilespmem:$0x230] =	vst v7  }
0xc6: {  	[tilespmem:$0x320] =	vst v63  }
0xc7: {  	[tilespmem:s7], [sflag:$0x1] =	stream.indirect.gather [hbm4b:s3+s6], $0x1, s9, s6, $0xb8;
	[tilespmem:$0x600] =	vst v63  }
0xc8: {  	_ =	swait.ge [sflag:s8], $0x80  }
0xc9: {  	[sflag:s8] =	ssyncset.done $0x0  }
0xca: {  	[sflag:s8] =	ssyncadd.s32 $0xFFFFFF80  }
0xcb: {  	[tilespmem:s13], [sflag:$0x1] =	stream.indirect.gather [hbm4b:s3+s6], $0x1, s12, s6, $0xb8;
	[tilespmem:$0x600] =	vst v63  }
0xcc: {  	_ =	swait.ge [sflag:s8], $0x80  }
0xcd: {  	[sflag:s8] =	ssyncset.done $0x0  }
0xce: {  	[sflag:s8] =	ssyncadd.s32 $0xFFFFFF80  }
0xcf: {  	[tilespmem:s14], [sflag:$0x1] =	stream.indirect.gather [hbm4b:s3+s6], $0x1, s10, s6, $0xb8;
	[tilespmem:$0x600] =	vst v63  }
0xd0: {  	_ =	swait.ge [sflag:s8], $0x80  }
0xd1: {  	[sflag:s8] =	ssyncset.done $0x0  }
0xd2: {  	[sflag:s8] =	ssyncadd.s32 $0xFFFFFF80  }
0xd3: {  	[tilespmem:s15], [sflag:$0x1] =	stream.indirect.gather [hbm4b:s3+s6], $0x1, s11, s6, $0xb8;
	[tilespmem:$0x600] =	vst v63  }
0xd4: {  	_ =	swait.ge [sflag:s8], $0x80  }
0xd5: {  	[sflag:s8] =	ssyncset.done $0x0  }
0xd6: {  	[sflag:s8] =	ssyncadd.s32 $0xFFFFFF80  }
0xd7: {  	[hbm4b:s4+s2] =	stream.linear.scatter [tilespmem:s7], [sflag:$0x2], $0x200, $0x38;
	[tilespmem:$0x600] =	vst v63  }
0xd8: {  	_ =	swait.ge [sflag:s5], $0x200  }
0xd9: {  	[sflag:s5] =	ssyncset.done $0x0  }
0xda: {  	[sflag:s5] =	ssyncadd.s32 $0xFFFFFE00  }
0xdb: {  	_ =	sfence.sel $0x180000  }
0xdc: {  	[bflag:$0x0] =	sbarrier.arrive $0xFFFF  }
0xdd: {  	p0 =	sne.s32 s1, $0x0;
	_ =	strace $0x90000047  }
0xde: {  	s0 =	sadd.s32 @!p0 $0x100000, s0;
	[bflag:$0x2] =	sbarrier.arrive $0xFFFF  }
0xdf: {  	[sflag:s0] =	ssyncadd.tile.s32 @!p0 $0x1;
	_ =	shalt  }
.Lfunc_end2:
_tile_overlayer_lowered:
.L_overlay_start_2:
0xe0: {  	(tag) =	ssettag $0x2  }
0xe1: {  	s0 =	rddreg [dreg:$0x0];
	s2 =	stileid.u32  }
0xe2: {  	s1 =	rddreg [dreg:$0x1];
	p0 =	sne.s32 s2, $0x0  }
0xe3: {  	s3 =	rddreg [dreg:$0x2];
	[bflag:$0x3] =	sbarrier.arrive $0xFFFF;
	s2 =	simm.s32 @!p0 $0x1C02  }
0xe4: {  	[timem:s3], [sflag:s2] =	dma.local @!p0 [hbm:s0], s1  }
0xe5: {  	s0 =	simm.s32 @!p0 $0x2  }
0xe6: {  	_ =	swait.ge @!p0 [sflag:s0], s1  }
0xe7: {  	s1 =	ssub.s32 @!p0 $0x0, s1;
	[sflag:s0] =	ssyncset.done @!p0 $0x0  }
0xe8: {  	[sflag:s0] =	ssyncadd.s32 @!p0 s1  }
0xe9: {  	[bflag:$0x3] =	sbarrier.arrive $0xFFFF  }
0xea: {  	_ =	shalt  }

</sc_bundles>
